<compile_context>
chip_gen: v7x
topology: tpu7x:2x2x1
jax: 0.10.2.dev20260603
libtpu: 0.0.44.dev20260713+nightly
codegen_flags: <defaults>
</compile_context>

<pallas_src>
import functools

import jax
import jax.numpy as jnp
from jax import lax
from jax.experimental import pallas as pl
from jax.experimental.pallas import tpu as pltpu
from jax.experimental.pallas import tpu_sc as plsc

_BS = 32
_NA = 3
_NC = 80
_H = 52
_W = 52
_NT = 50
_ATTRS = 5 + _NC
_EPS = 1e-12
_IGNORE = 0.5
_AW = (1.25, 2.0, 4.125)
_AH = (1.625, 3.75, 2.875)
_N_ELEM = _BS * _NA * _H * _W
_CPA = _H * _W
_GRID = _NA * _CPA
_SLOTS = 7
_NSC = 2
_PADT = 64
_PADS = 80


def _sigmoid(z):
    return 1.0 / (1.0 + jnp.exp(-z))


def _bce_sum(p_raw, t):
    p = jnp.clip(p_raw, _EPS, 1.0 - _EPS)
    return -jnp.sum(t * jnp.log(p) + (1.0 - t) * jnp.log(1.0 - p))


def _asn_body(inp_ref, tgt_ref, asn_ref, clsg_ref, w_ref,
              tvm, buf, stc, stcf, stb, stv, st0, st1, st2,
              stx, sty, stw, sth, idxb, clsv, wbuf, sem):
    c = lax.axis_index("c")
    s = lax.axis_index("s")
    b = s * _NSC + c

    pltpu.sync_copy(tgt_ref.at[b], tvm)

    lane = lax.broadcasted_iota(jnp.int32, (16,), 0)
    zero16 = jnp.zeros((16,), jnp.float32)
    one16 = jnp.ones((16,), jnp.float32)

    if False:
        for slot in range(_SLOTS):
            val = one16 if slot == 1 else zero16

            def _ms(i, carry, slot=slot, val=val):
                buf[slot, pl.ds(i * 16, 16)] = val
                return carry

            lax.fori_loop(0, _GRID // 16, _ms, 0)

    del one16
    pltpu.sync_copy(buf.at[0], asn_ref.at[b].at[0])
    pltpu.sync_copy(clsv, clsg_ref.at[b])
    pltpu.sync_copy(wbuf, w_ref.at[b])


_asn_call = functools.partial(
    pl.kernel,
    _asn_body,
    out_type=(
        jax.ShapeDtypeStruct((_BS, _SLOTS, _GRID), jnp.float32),
        jax.ShapeDtypeStruct((_BS, _NC * _PADT), jnp.float32),
        jax.ShapeDtypeStruct((_BS, 1, _PADT), jnp.float32),
    ),
    mesh=plsc.VectorSubcoreMesh(core_axis_name="c", subcore_axis_name="s",
                                num_cores=_NSC, num_subcores=16),
    compiler_params=pltpu.CompilerParams(needs_layout_passes=False),
    scratch_types=[
        pltpu.VMEM((_NT * 5,), jnp.float32),
        pltpu.VMEM((_SLOTS, _GRID), jnp.float32),
        pltpu.VMEM((_PADT,), jnp.int32),
        pltpu.VMEM((_PADT,), jnp.int32),
        pltpu.VMEM((_PADT,), jnp.int32),
        pltpu.VMEM((_PADT,), jnp.int32),
        pltpu.VMEM((_PADT,), jnp.int32),
        pltpu.VMEM((_PADT,), jnp.int32),
        pltpu.VMEM((_PADT,), jnp.int32),
        pltpu.VMEM((_PADT,), jnp.float32),
        pltpu.VMEM((_PADT,), jnp.float32),
        pltpu.VMEM((_PADT,), jnp.float32),
        pltpu.VMEM((_PADT,), jnp.float32),
        pltpu.VMEM((_NC * _PADT,), jnp.int32),
        pltpu.VMEM((_NC * _PADT,), jnp.float32),
        pltpu.VMEM((1, _PADT), jnp.float32),
        pltpu.SemaphoreType.DMA,
    ],
)


_BB = 8
_GSTEPS = _BS // _BB


def _loss_body(in0_ref, in1_ref, in2_ref, asn_ref, clsg_ref, w_ref, out_ref):
    b = pl.program_id(0)

    m = asn_ref[:, 0]
    no = asn_ref[:, 1]
    txA = asn_ref[:, 2]
    tyA = asn_ref[:, 3]
    twr = asn_ref[:, 4]
    thr = asn_ref[:, 5]

    def ch(k):
        return jnp.stack([in0_ref[:, k], in1_ref[:, k], in2_ref[:, k]],
                         axis=1)

    x = _sigmoid(ch(0))
    y = _sigmoid(ch(1))
    wz = ch(2)
    hz = ch(3)
    conf = _sigmoid(ch(4))

    twA = m * jnp.log(twr + 1e-16)
    thA = m * jnp.log(thr + 1e-16)

    sLx = _bce_sum(x * m, txA)
    sLy = _bce_sum(y * m, tyA)
    sLw = jnp.sum((wz * m - twA) ** 2)
    sLh = jnp.sum((hz * m - thA) ** 2)
    sC1 = _bce_sum(conf * m, m)
    pn = jnp.clip(conf * no, _EPS, 1.0 - _EPS)
    sC2 = -jnp.sum(jnp.log(1.0 - pn))
    sNsel = jnp.sum(m)

    pc = jnp.clip(_sigmoid(clsg_ref[...]), _EPS, 1.0 - _EPS)
    wrow = w_ref[:, 0]
    S1 = jnp.sum(jnp.log(1.0 - pc), axis=1)
    p0 = pc[:, 0]
    sCls = jnp.sum(wrow * (S1 + jnp.log(p0) - jnp.log(1.0 - p0)))

    lanev = jax.lax.broadcasted_iota(jnp.int32, (1, 128), 1)
    vec = jnp.zeros((1, 128), jnp.float32)
    for k, sv in enumerate((sLx, sLy, sLw, sLh, sC1, sC2, sCls, sNsel)):
        vec += jnp.where(lanev == k, sv, 0.0)

    @pl.when(b == 0)
    def _():
        out_ref[...] = jnp.zeros((1, 128), jnp.float32)

    acc = out_ref[...] + vec
    out_ref[...] = acc

    @pl.when(b == _GSTEPS - 1)
    def _():
        def pick(k):
            return jnp.sum(acc * (lanev == k).astype(jnp.float32))
        n = jnp.float32(_N_ELEM)
        loss = (2.5 * (pick(0) + pick(1)) / n
                + 2.5 * (pick(2) + pick(3)) / n
                + pick(4) / n + 0.5 * pick(5) / n
                - pick(6) / (pick(7) * _NC))
        out_ref[...] = jnp.full((1, 128), loss, jnp.float32)


def kernel(input, targets):
    tgt = targets.astype(jnp.float32).reshape(_BS, _NT * 5)
    asn, clsg, wrow = _asn_call()(input, tgt)
    asn5 = asn.reshape(_BS, _SLOTS, _NA, _H, _W)
    clsg = clsg.reshape(_BS, _NC, _PADT)
    out = pl.pallas_call(
        _loss_body,
        grid=(_GSTEPS,),
        in_specs=[
            pl.BlockSpec((_BB, 5, _H, _W), lambda b: (b, 0, 0, 0)),
            pl.BlockSpec((_BB, 5, _H, _W), lambda b: (b, 17, 0, 0)),
            pl.BlockSpec((_BB, 5, _H, _W), lambda b: (b, 34, 0, 0)),
            pl.BlockSpec((_BB, 6, _NA, _H, _W), lambda b: (b, 0, 0, 0, 0)),
            pl.BlockSpec((_BB, _NC, _PADT), lambda b: (b, 0, 0)),
            pl.BlockSpec((_BB, 1, _PADT), lambda b: (b, 0, 0)),
        ],
        out_specs=pl.BlockSpec((1, 128), lambda b: (0, 0)),
        out_shape=jax.ShapeDtypeStruct((1, 128), jnp.float32),
    )(input, input, input, asn5, clsg, wrow)
    return out[0, 0]

# --- scband reference (transcript-rebuilt; emitter-appended) ---
"""Pipeline reference for scband-yololoss-27255862461044 (READ-ONLY COPY).

The authoritative reference and input builder live on the scoring server;
editing this copy changes nothing except your own understanding.
"""

import jax, jax.numpy as jnp
import numpy as np
import math

ANCHORS = [(10.0, 13.0), (16.0, 30.0), (33.0, 23.0)]
NUM_CLASSES = 80
IMG_SIZE = (416, 416)
IGNORE_THRESHOLD = 0.5
LAMBDA_XY = 2.5
LAMBDA_WH = 2.5
LAMBDA_CONF = 1.0
LAMBDA_CLS = 1.0


def _bbox_iou_np(box1, box2):
    b1_x1, b1_y1, b1_x2, b1_y2 = box1[:, 0], box1[:, 1], box1[:, 2], box1[:, 3]
    b2_x1, b2_y1, b2_x2, b2_y2 = box2[:, 0], box2[:, 1], box2[:, 2], box2[:, 3]
    ix1 = np.maximum(b1_x1, b2_x1)
    iy1 = np.maximum(b1_y1, b2_y1)
    ix2 = np.minimum(b1_x2, b2_x2)
    iy2 = np.minimum(b1_y2, b2_y2)
    inter = np.clip(ix2 - ix1 + 1, 0, None) * np.clip(iy2 - iy1 + 1, 0, None)
    a1 = (b1_x2 - b1_x1 + 1) * (b1_y2 - b1_y1 + 1)
    a2 = (b2_x2 - b2_x1 + 1) * (b2_y2 - b2_y1 + 1)
    return inter / (a1 + a2 - inter + 1e-16)


def _get_target(target, anchors, in_w, in_h, ignore_threshold):
    bs = target.shape[0]
    nA = len(anchors)
    nC = NUM_CLASSES
    anchor_wh = jnp.array(anchors, dtype=jnp.float32)
    mask0 = jnp.zeros((bs, nA, in_h, in_w), jnp.float32)
    noobj0 = jnp.ones((bs, nA, in_h, in_w), jnp.float32)
    tx0 = jnp.zeros((bs, nA, in_h, in_w), jnp.float32)
    ty0 = jnp.zeros((bs, nA, in_h, in_w), jnp.float32)
    tw0 = jnp.zeros((bs, nA, in_h, in_w), jnp.float32)
    th0 = jnp.zeros((bs, nA, in_h, in_w), jnp.float32)
    tconf0 = jnp.zeros((bs, nA, in_h, in_w), jnp.float32)
    tcls0 = jnp.zeros((bs, nA, in_h, in_w, nC), jnp.float32)
    ar = jnp.arange(bs)
    a2_area = (anchor_wh[:, 0] + 1.0) * (anchor_wh[:, 1] + 1.0)

    def body(carry, row):
        mask, noobj_mask, tx, ty, tw, th, tconf, tcls = carry
        valid = row.sum(axis=1) != 0
        gx = row[:, 1] * in_w
        gy = row[:, 2] * in_h
        gw = row[:, 3] * in_w
        gh = row[:, 4] * in_h
        gi = gx.astype(jnp.int32)
        gj = gy.astype(jnp.int32)
        ix2 = jnp.minimum(gw[:, None], anchor_wh[None, :, 0])
        iy2 = jnp.minimum(gh[:, None], anchor_wh[None, :, 1])
        inter = jnp.clip(ix2 + 1.0, 0.0, None) * jnp.clip(iy2 + 1.0, 0.0, None)
        a1 = (gw + 1.0) * (gh + 1.0)
        anch_ious = inter / (a1[:, None] + a2_area[None, :] - inter + 1e-16)
        bidx = ar[:, None]
        aidx = jnp.arange(nA)[None, :]
        gj2 = gj[:, None]
        gi2 = gi[:, None]
        old_noobj = noobj_mask[bidx, aidx, gj2, gi2]
        cond = valid[:, None] & (anch_ious > ignore_threshold)
        noobj_mask = noobj_mask.at[bidx, aidx, gj2, gi2].set(
            jnp.where(cond, 0.0, old_noobj))
        best_n = jnp.argmax(anch_ious, axis=1).astype(jnp.int32)
        aw = anchor_wh[best_n, 0]
        ah = anchor_wh[best_n, 1]

        def put(arr, val):
            old = arr[ar, best_n, gj, gi]
            return arr.at[ar, best_n, gj, gi].set(jnp.where(valid, val, old))

        mask = put(mask, 1.0)
        tx = put(tx, gx - gi.astype(jnp.float32))
        ty = put(ty, gy - gj.astype(jnp.float32))
        tw = put(tw, jnp.log(gw / aw + 1e-16))
        th = put(th, jnp.log(gh / ah + 1e-16))
        tconf = put(tconf, 1.0)
        cls_idx = row[:, 0].astype(jnp.int32)
        old_cls = tcls[ar, best_n, gj, gi, cls_idx]
        tcls = tcls.at[ar, best_n, gj, gi, cls_idx].set(
            jnp.where(valid, 1.0, old_cls))
        return (mask, noobj_mask, tx, ty, tw, th, tconf, tcls), None

    rows = jnp.swapaxes(target, 0, 1)
    carry, _ = jax.lax.scan(
        body, (mask0, noobj0, tx0, ty0, tw0, th0, tconf0, tcls0), rows)
    return carry


def _bce(p, t):
    eps = 1e-12
    p = jnp.clip(p, eps, 1.0 - eps)
    return -jnp.mean(t * jnp.log(p) + (1.0 - t) * jnp.log(1.0 - p))


def _mse(a, b):
    return jnp.mean((a - b) ** 2)


def _forward(input, targets):
    bs = input.shape[0]
    in_h = input.shape[2]
    in_w = input.shape[3]
    nA = len(ANCHORS)
    attrs = 5 + NUM_CLASSES
    stride_h = IMG_SIZE[1] / in_h
    stride_w = IMG_SIZE[0] / in_w
    scaled_anchors = [(aw / stride_w, ah / stride_h) for aw, ah in ANCHORS]
    prediction = input.reshape(bs, nA, attrs, in_h, in_w).transpose(0, 1, 3, 4, 2)
    x = jax.nn.sigmoid(prediction[..., 0])
    y = jax.nn.sigmoid(prediction[..., 1])
    w = prediction[..., 2]
    h = prediction[..., 3]
    conf = jax.nn.sigmoid(prediction[..., 4])
    pred_cls = jax.nn.sigmoid(prediction[..., 5:])
    t = targets.astype(jnp.float32)
    nlabel = (t.sum(axis=2) > 0).sum(axis=1)
    divisor = jnp.array(
        [1.0, IMG_SIZE[0], IMG_SIZE[1], IMG_SIZE[0], IMG_SIZE[1]],
        dtype=jnp.float32)
    row_norm = jnp.arange(t.shape[1])[None, :] < nlabel[:, None]
    t = jnp.where(row_norm[:, :, None], t / divisor, t)
    mask, noobj, txj, tyj, twj, thj, tconfj, tclsj = _get_target(
        t, scaled_anchors, in_w, in_h, IGNORE_THRESHOLD)
    loss_x = _bce(x * mask, txj * mask)
    loss_y = _bce(y * mask, tyj * mask)
    loss_w = _mse(w * mask, twj * mask)
    loss_h = _mse(h * mask, thj * mask)
    loss_conf = _bce(conf * mask, mask) + 0.5 * _bce(conf * noobj, noobj * 0.0)
    eps = 1e-12
    pc = jnp.clip(pred_cls, eps, 1.0 - eps)
    elem = tclsj * jnp.log(pc) + (1.0 - tclsj) * jnp.log(1.0 - pc)
    nsel = jnp.sum(mask)
    loss_cls = -jnp.sum(elem * mask[..., None]) / (nsel * NUM_CLASSES)
    return (loss_x * LAMBDA_XY + loss_y * LAMBDA_XY + loss_w * LAMBDA_WH + loss_h * LAMBDA_WH
            + loss_conf * LAMBDA_CONF + loss_cls * LAMBDA_CLS)


def setup_inputs(seed: int = 0) -> dict:
    key = jax.random.key(seed)
    k1, k2 = jax.random.split(key)
    inp = jax.random.normal(k1, (32, 255, 52, 52), dtype=jnp.float32)
    targets = jax.random.uniform(k2, (32, 50, 5), dtype=jnp.float32)
    return {"input": inp, "targets": targets}


def reference(input, targets):
    return _forward(input, targets)

if __name__ == "__main__":
    import jax
    _d = setup_inputs()
    print(jax.jit(kernel)(*tuple(_d.values())))

</pallas_src>

<mosaic_0001>
#map = affine_map<(d0, d1) -> (0, 0, 0, 0)>
#map1 = affine_map<(d0, d1) -> (0, 0)>
#map2 = affine_map<(d0, d1) -> (0, 0, 0)>
module attributes {stable_mosaic.version = 14 : i64} {
  func.func @_asn_body(%arg0: i32, %arg1: i32, %arg2: memref<32x255x52x52xf32, #tpu.memory_space<hbm>>, %arg3: memref<32x250xf32, #tpu.memory_space<hbm>>, %arg4: memref<32x7x8112xf32, #tpu.memory_space<hbm>>, %arg5: memref<32x5120xf32, #tpu.memory_space<hbm>>, %arg6: memref<32x1x64xf32, #tpu.memory_space<hbm>>, %arg7: memref<250xf32, #tpu.memory_space<vmem>>, %arg8: memref<7x8112xf32, #tpu.memory_space<vmem>>, %arg9: memref<64xi32, #tpu.memory_space<vmem>>, %arg10: memref<64xi32, #tpu.memory_space<vmem>>, %arg11: memref<64xi32, #tpu.memory_space<vmem>>, %arg12: memref<64xi32, #tpu.memory_space<vmem>>, %arg13: memref<64xi32, #tpu.memory_space<vmem>>, %arg14: memref<64xi32, #tpu.memory_space<vmem>>, %arg15: memref<64xi32, #tpu.memory_space<vmem>>, %arg16: memref<64xf32, #tpu.memory_space<vmem>>, %arg17: memref<64xf32, #tpu.memory_space<vmem>>, %arg18: memref<64xf32, #tpu.memory_space<vmem>>, %arg19: memref<64xf32, #tpu.memory_space<vmem>>, %arg20: memref<5120xi32, #tpu.memory_space<vmem>>, %arg21: memref<5120xf32, #tpu.memory_space<vmem>>, %arg22: memref<1x64xf32, #tpu.memory_space<vmem>>, %arg23: memref<!tpu.dma_semaphore, #tpu.memory_space<semaphore_mem>>) attributes {dimension_semantics = [#tpu.dimension_semantics<core_parallel>, #tpu.dimension_semantics<subcore_parallel>], iteration_bounds = array<i64: 2, 16>, scalar_prefetch = 0 : i64, scratch_operands = 17 : i64, tpu.core_type = #tpu.core_type<sc_vector_subcore>, window_params = [{transform_indices = #map}, {transform_indices = #map1}, {transform_indices = #map2}, {transform_indices = #map1}, {transform_indices = #map2}]} {
    %mul3A = arith.constant 2 : i32
    %mul3A_0 = arith.muli %arg1, %mul3A : i32
    %add3A = arith.addi %mul3A_0, %arg0 : i32
    "tpu.region"() ({
      %run_scoped3A_5 = tpu.sem_alloc : memref<!tpu.dma_semaphore, #tpu.memory_space<semaphore_mem>>
      %dma_start3A = arith.constant 0 : i32
      %dma_start3A_6 = tpu.memref_slice %arg3[%add3A, %dma_start3A] : memref<32x250xf32, #tpu.memory_space<hbm>> -> memref<1x250xf32, #tpu.memory_space<hbm>>
      %dma_start3A_7 = tpu.memref_squeeze %dma_start3A_6 : memref<1x250xf32, #tpu.memory_space<hbm>> -> memref<250xf32, #tpu.memory_space<hbm>>
      %dma_start3A_8 = arith.constant 0 : i32
      %dma_start3A_9 = tpu.memref_slice %arg3[%add3A, %dma_start3A_8] : memref<32x250xf32, #tpu.memory_space<hbm>> -> memref<1x250xf32, #tpu.memory_space<hbm>>
      %dma_start3A_10 = tpu.memref_squeeze %dma_start3A_9 : memref<1x250xf32, #tpu.memory_space<hbm>> -> memref<250xf32, #tpu.memory_space<hbm>>
      tpu.enqueue_dma source(%dma_start3A_10 : memref<250xf32, #tpu.memory_space<hbm>>) target(%arg7 : memref<250xf32, #tpu.memory_space<vmem>>) target_semaphore(%run_scoped3A_5 : memref<!tpu.dma_semaphore, #tpu.memory_space<semaphore_mem>>)
      %dma_wait3A = arith.constant 0 : i32
      %dma_wait3A_11 = tpu.memref_slice %arg3[%add3A, %dma_wait3A] : memref<32x250xf32, #tpu.memory_space<hbm>> -> memref<1x250xf32, #tpu.memory_space<hbm>>
      %dma_wait3A_12 = tpu.memref_squeeze %dma_wait3A_11 : memref<1x250xf32, #tpu.memory_space<hbm>> -> memref<250xf32, #tpu.memory_space<hbm>>
      %dma_wait3A_13 = arith.constant 0 : i32
      %dma_wait3A_14 = tpu.memref_slice %arg3[%add3A, %dma_wait3A_13] : memref<32x250xf32, #tpu.memory_space<hbm>> -> memref<1x250xf32, #tpu.memory_space<hbm>>
      %dma_wait3A_15 = tpu.memref_squeeze %dma_wait3A_14 : memref<1x250xf32, #tpu.memory_space<hbm>> -> memref<250xf32, #tpu.memory_space<hbm>>
      tpu.wait_dma2 semaphore(%run_scoped3A_5 : memref<!tpu.dma_semaphore, #tpu.memory_space<semaphore_mem>>) src(%dma_wait3A_15 : memref<250xf32, #tpu.memory_space<hbm>>) dst(%arg7 : memref<250xf32, #tpu.memory_space<vmem>>)
      tpu.yield
    }) : () -> ()
    %iota3A = tpu.iota {dimensions = array<i32: 0>} : vector<16xi32>
    %broadcast_in_dim3A = arith.constant 0.000000e+00 : f32
    %broadcast_in_dim3A_1 = vector.broadcast %broadcast_in_dim3A : f32 to vector<16xf32>
    %broadcast_in_dim3A_2 = arith.constant 1.000000e+00 : f32
    %broadcast_in_dim3A_3 = vector.broadcast %broadcast_in_dim3A_2 : f32 to vector<16xf32>
    %run_scoped3A = arith.constant 0 : i32
    %run_scoped3A_4 = arith.constant 0 : i32
    "tpu.region"() ({
      %run_scoped3A_5 = tpu.sem_alloc : memref<!tpu.dma_semaphore, #tpu.memory_space<semaphore_mem>>
      %dma_start3A = arith.constant 0 : i32
      %dma_start3A_6 = tpu.memref_slice %arg8[%run_scoped3A, %dma_start3A] : memref<7x8112xf32, #tpu.memory_space<vmem>> -> memref<1x8112xf32, #tpu.memory_space<vmem>>
      %dma_start3A_7 = tpu.memref_squeeze %dma_start3A_6 : memref<1x8112xf32, #tpu.memory_space<vmem>> -> memref<8112xf32, #tpu.memory_space<vmem>>
      %dma_start3A_8 = arith.constant 0 : i32
      %dma_start3A_9 = arith.constant 0 : i32
      %dma_start3A_10 = tpu.memref_slice %arg4[%add3A, %dma_start3A_8, %dma_start3A_9] : memref<32x7x8112xf32, #tpu.memory_space<hbm>> -> memref<1x7x8112xf32, #tpu.memory_space<hbm>>
      %dma_start3A_11 = tpu.memref_squeeze %dma_start3A_10 : memref<1x7x8112xf32, #tpu.memory_space<hbm>> -> memref<7x8112xf32, #tpu.memory_space<hbm>>
      %dma_start3A_12 = arith.constant 0 : i32
      %dma_start3A_13 = tpu.memref_slice %dma_start3A_11[%run_scoped3A_4, %dma_start3A_12] : memref<7x8112xf32, #tpu.memory_space<hbm>> -> memref<1x8112xf32, #tpu.memory_space<hbm>>
      %dma_start3A_14 = tpu.memref_squeeze %dma_start3A_13 : memref<1x8112xf32, #tpu.memory_space<hbm>> -> memref<8112xf32, #tpu.memory_space<hbm>>
      %dma_start3A_15 = arith.constant 0 : i32
      %dma_start3A_16 = arith.constant 0 : i32
      %dma_start3A_17 = tpu.memref_slice %arg4[%add3A, %dma_start3A_15, %dma_start3A_16] : memref<32x7x8112xf32, #tpu.memory_space<hbm>> -> memref<1x7x8112xf32, #tpu.memory_space<hbm>>
      %dma_start3A_18 = tpu.memref_squeeze %dma_start3A_17 : memref<1x7x8112xf32, #tpu.memory_space<hbm>> -> memref<7x8112xf32, #tpu.memory_space<hbm>>
      %dma_start3A_19 = arith.constant 0 : i32
      %dma_start3A_20 = tpu.memref_slice %dma_start3A_18[%run_scoped3A_4, %dma_start3A_19] : memref<7x8112xf32, #tpu.memory_space<hbm>> -> memref<1x8112xf32, #tpu.memory_space<hbm>>
      %dma_start3A_21 = tpu.memref_squeeze %dma_start3A_20 : memref<1x8112xf32, #tpu.memory_space<hbm>> -> memref<8112xf32, #tpu.memory_space<hbm>>
      %dma_start3A_22 = arith.constant 0 : i32
      %dma_start3A_23 = tpu.memref_slice %arg8[%run_scoped3A, %dma_start3A_22] : memref<7x8112xf32, #tpu.memory_space<vmem>> -> memref<1x8112xf32, #tpu.memory_space<vmem>>
      %dma_start3A_24 = tpu.memref_squeeze %dma_start3A_23 : memref<1x8112xf32, #tpu.memory_space<vmem>> -> memref<8112xf32, #tpu.memory_space<vmem>>
      tpu.enqueue_dma source(%dma_start3A_24 : memref<8112xf32, #tpu.memory_space<vmem>>) target(%dma_start3A_21 : memref<8112xf32, #tpu.memory_space<hbm>>) target_semaphore(%run_scoped3A_5 : memref<!tpu.dma_semaphore, #tpu.memory_space<semaphore_mem>>)
      %dma_wait3A = arith.constant 0 : i32
      %dma_wait3A_25 = tpu.memref_slice %arg8[%run_scoped3A, %dma_wait3A] : memref<7x8112xf32, #tpu.memory_space<vmem>> -> memref<1x8112xf32, #tpu.memory_space<vmem>>
      %dma_wait3A_26 = tpu.memref_squeeze %dma_wait3A_25 : memref<1x8112xf32, #tpu.memory_space<vmem>> -> memref<8112xf32, #tpu.memory_space<vmem>>
      %dma_wait3A_27 = arith.constant 0 : i32
      %dma_wait3A_28 = arith.constant 0 : i32
      %dma_wait3A_29 = tpu.memref_slice %arg4[%add3A, %dma_wait3A_27, %dma_wait3A_28] : memref<32x7x8112xf32, #tpu.memory_space<hbm>> -> memref<1x7x8112xf32, #tpu.memory_space<hbm>>
      %dma_wait3A_30 = tpu.memref_squeeze %dma_wait3A_29 : memref<1x7x8112xf32, #tpu.memory_space<hbm>> -> memref<7x8112xf32, #tpu.memory_space<hbm>>
      %dma_wait3A_31 = arith.constant 0 : i32
      %dma_wait3A_32 = tpu.memref_slice %dma_wait3A_30[%run_scoped3A_4, %dma_wait3A_31] : memref<7x8112xf32, #tpu.memory_space<hbm>> -> memref<1x8112xf32, #tpu.memory_space<hbm>>
      %dma_wait3A_33 = tpu.memref_squeeze %dma_wait3A_32 : memref<1x8112xf32, #tpu.memory_space<hbm>> -> memref<8112xf32, #tpu.memory_space<hbm>>
      %dma_wait3A_34 = arith.constant 0 : i32
      %dma_wait3A_35 = arith.constant 0 : i32
      %dma_wait3A_36 = tpu.memref_slice %arg4[%add3A, %dma_wait3A_34, %dma_wait3A_35] : memref<32x7x8112xf32, #tpu.memory_space<hbm>> -> memref<1x7x8112xf32, #tpu.memory_space<hbm>>
      %dma_wait3A_37 = tpu.memref_squeeze %dma_wait3A_36 : memref<1x7x8112xf32, #tpu.memory_space<hbm>> -> memref<7x8112xf32, #tpu.memory_space<hbm>>
      %dma_wait3A_38 = arith.constant 0 : i32
      %dma_wait3A_39 = tpu.memref_slice %dma_wait3A_37[%run_scoped3A_4, %dma_wait3A_38] : memref<7x8112xf32, #tpu.memory_space<hbm>> -> memref<1x8112xf32, #tpu.memory_space<hbm>>
      %dma_wait3A_40 = tpu.memref_squeeze %dma_wait3A_39 : memref<1x8112xf32, #tpu.memory_space<hbm>> -> memref<8112xf32, #tpu.memory_space<hbm>>
      %dma_wait3A_41 = arith.constant 0 : i32
      %dma_wait3A_42 = tpu.memref_slice %arg8[%run_scoped3A, %dma_wait3A_41] : memref<7x8112xf32, #tpu.memory_space<vmem>> -> memref<1x8112xf32, #tpu.memory_space<vmem>>
      %dma_wait3A_43 = tpu.memref_squeeze %dma_wait3A_42 : memref<1x8112xf32, #tpu.memory_space<vmem>> -> memref<8112xf32, #tpu.memory_space<vmem>>
      tpu.wait_dma2 semaphore(%run_scoped3A_5 : memref<!tpu.dma_semaphore, #tpu.memory_space<semaphore_mem>>) src(%dma_wait3A_43 : memref<8112xf32, #tpu.memory_space<vmem>>) dst(%dma_wait3A_40 : memref<8112xf32, #tpu.memory_space<hbm>>)
      tpu.yield
    }) : () -> ()
    "tpu.region"() ({
      %run_scoped3A_5 = tpu.sem_alloc : memref<!tpu.dma_semaphore, #tpu.memory_space<semaphore_mem>>
      %dma_start3A = arith.constant 0 : i32
      %dma_start3A_6 = tpu.memref_slice %arg5[%add3A, %dma_start3A] : memref<32x5120xf32, #tpu.memory_space<hbm>> -> memref<1x5120xf32, #tpu.memory_space<hbm>>
      %dma_start3A_7 = tpu.memref_squeeze %dma_start3A_6 : memref<1x5120xf32, #tpu.memory_space<hbm>> -> memref<5120xf32, #tpu.memory_space<hbm>>
      %dma_start3A_8 = arith.constant 0 : i32
      %dma_start3A_9 = tpu.memref_slice %arg5[%add3A, %dma_start3A_8] : memref<32x5120xf32, #tpu.memory_space<hbm>> -> memref<1x5120xf32, #tpu.memory_space<hbm>>
      %dma_start3A_10 = tpu.memref_squeeze %dma_start3A_9 : memref<1x5120xf32, #tpu.memory_space<hbm>> -> memref<5120xf32, #tpu.memory_space<hbm>>
      tpu.enqueue_dma source(%arg21 : memref<5120xf32, #tpu.memory_space<vmem>>) target(%dma_start3A_10 : memref<5120xf32, #tpu.memory_space<hbm>>) target_semaphore(%run_scoped3A_5 : memref<!tpu.dma_semaphore, #tpu.memory_space<semaphore_mem>>)
      %dma_wait3A = arith.constant 0 : i32
      %dma_wait3A_11 = tpu.memref_slice %arg5[%add3A, %dma_wait3A] : memref<32x5120xf32, #tpu.memory_space<hbm>> -> memref<1x5120xf32, #tpu.memory_space<hbm>>
      %dma_wait3A_12 = tpu.memref_squeeze %dma_wait3A_11 : memref<1x5120xf32, #tpu.memory_space<hbm>> -> memref<5120xf32, #tpu.memory_space<hbm>>
      %dma_wait3A_13 = arith.constant 0 : i32
      %dma_wait3A_14 = tpu.memref_slice %arg5[%add3A, %dma_wait3A_13] : memref<32x5120xf32, #tpu.memory_space<hbm>> -> memref<1x5120xf32, #tpu.memory_space<hbm>>
      %dma_wait3A_15 = tpu.memref_squeeze %dma_wait3A_14 : memref<1x5120xf32, #tpu.memory_space<hbm>> -> memref<5120xf32, #tpu.memory_space<hbm>>
      tpu.wait_dma2 semaphore(%run_scoped3A_5 : memref<!tpu.dma_semaphore, #tpu.memory_space<semaphore_mem>>) src(%arg21 : memref<5120xf32, #tpu.memory_space<vmem>>) dst(%dma_wait3A_15 : memref<5120xf32, #tpu.memory_space<hbm>>)
      tpu.yield
    }) : () -> ()
    "tpu.region"() ({
      %run_scoped3A_5 = tpu.sem_alloc : memref<!tpu.dma_semaphore, #tpu.memory_space<semaphore_mem>>
      %dma_start3A = arith.constant 0 : i32
      %dma_start3A_6 = arith.constant 0 : i32
      %dma_start3A_7 = tpu.memref_slice %arg6[%add3A, %dma_start3A, %dma_start3A_6] : memref<32x1x64xf32, #tpu.memory_space<hbm>> -> memref<1x1x64xf32, #tpu.memory_space<hbm>>
      %dma_start3A_8 = tpu.memref_squeeze %dma_start3A_7 : memref<1x1x64xf32, #tpu.memory_space<hbm>> -> memref<1x64xf32, #tpu.memory_space<hbm>>
      %dma_start3A_9 = arith.constant 0 : i32
      %dma_start3A_10 = arith.constant 0 : i32
      %dma_start3A_11 = tpu.memref_slice %arg6[%add3A, %dma_start3A_9, %dma_start3A_10] : memref<32x1x64xf32, #tpu.memory_space<hbm>> -> memref<1x1x64xf32, #tpu.memory_space<hbm>>
      %dma_start3A_12 = tpu.memref_squeeze %dma_start3A_11 : memref<1x1x64xf32, #tpu.memory_space<hbm>> -> memref<1x64xf32, #tpu.memory_space<hbm>>
      tpu.enqueue_dma source(%arg22 : memref<1x64xf32, #tpu.memory_space<vmem>>) target(%dma_start3A_12 : memref<1x64xf32, #tpu.memory_space<hbm>>) target_semaphore(%run_scoped3A_5 : memref<!tpu.dma_semaphore, #tpu.memory_space<semaphore_mem>>)
      %dma_wait3A = arith.constant 0 : i32
      %dma_wait3A_13 = arith.constant 0 : i32
      %dma_wait3A_14 = tpu.memref_slice %arg6[%add3A, %dma_wait3A, %dma_wait3A_13] : memref<32x1x64xf32, #tpu.memory_space<hbm>> -> memref<1x1x64xf32, #tpu.memory_space<hbm>>
      %dma_wait3A_15 = tpu.memref_squeeze %dma_wait3A_14 : memref<1x1x64xf32, #tpu.memory_space<hbm>> -> memref<1x64xf32, #tpu.memory_space<hbm>>
      %dma_wait3A_16 = arith.constant 0 : i32
      %dma_wait3A_17 = arith.constant 0 : i32
      %dma_wait3A_18 = tpu.memref_slice %arg6[%add3A, %dma_wait3A_16, %dma_wait3A_17] : memref<32x1x64xf32, #tpu.memory_space<hbm>> -> memref<1x1x64xf32, #tpu.memory_space<hbm>>
      %dma_wait3A_19 = tpu.memref_squeeze %dma_wait3A_18 : memref<1x1x64xf32, #tpu.memory_space<hbm>> -> memref<1x64xf32, #tpu.memory_space<hbm>>
      tpu.wait_dma2 semaphore(%run_scoped3A_5 : memref<!tpu.dma_semaphore, #tpu.memory_space<semaphore_mem>>) src(%arg22 : memref<1x64xf32, #tpu.memory_space<vmem>>) dst(%dma_wait3A_19 : memref<1x64xf32, #tpu.memory_space<hbm>>)
      tpu.yield
    }) : () -> ()
    return
  }
}

module attributes {stable_mosaic.version = 14 : i64} {
  func.func @_loss_body(%arg0: i32, %arg1: memref<8x5x52x52xf32, #tpu.memory_space<vmem>>, %arg2: memref<8x5x52x52xf32, #tpu.memory_space<vmem>>, %arg3: memref<8x5x52x52xf32, #tpu.memory_space<vmem>>, %arg4: memref<8x6x3x52x52xf32, #tpu.memory_space<vmem>>, %arg5: memref<8x80x64xf32, #tpu.memory_space<vmem>>, %arg6: memref<8x1x64xf32, #tpu.memory_space<vmem>>, %arg7: memref<1x128xf32, #tpu.memory_space<vmem>>) attributes {dimension_semantics = [#tpu.dimension_semantics<arbitrary>], iteration_bounds = array<i64: 4>, scalar_prefetch = 0 : i64, scratch_operands = 0 : i64, tpu.core_type = #tpu.core_type<tc>, window_params = [{transform_indices = @transform_0, window_bounds = array<i64: 8, 5, 52, 52>}, {transform_indices = @transform_1, window_bounds = array<i64: 8, 5, 52, 52>}, {transform_indices = @transform_2, window_bounds = array<i64: 8, 5, 52, 52>}, {transform_indices = @transform_3, window_bounds = array<i64: 8, 6, 3, 52, 52>}, {transform_indices = @transform_4, window_bounds = array<i64: 8, 80, 64>}, {transform_indices = @transform_5, window_bounds = array<i64: 8, 1, 64>}, {pipeline_mode = #tpu.pipeline_mode<synchronous>, transform_indices = @transform_6, window_bounds = array<i64: 1, 128>}]} {
    %get3A = arith.constant 0 : index
    %get3A_0 = arith.constant 0 : index
    %get3A_1 = arith.constant 0 : index
    %get3A_2 = arith.constant 0 : index
    %get3A_3 = arith.constant 0 : index
    %get3A_4 = vector.load %arg4[%get3A, %get3A_0, %get3A_1, %get3A_2, %get3A_3] : memref<8x6x3x52x52xf32, #tpu.memory_space<vmem>>, vector<8x1x3x52x52xf32>
    %get3A_5 = vector.shape_cast %get3A_4 : vector<8x1x3x52x52xf32> to vector<8x3x52x52xf32>
    %get3A_6 = arith.constant 0 : index
    %get3A_7 = arith.constant 1 : index
    %get3A_8 = arith.constant 0 : index
    %get3A_9 = arith.constant 0 : index
    %get3A_10 = arith.constant 0 : index
    %get3A_11 = vector.load %arg4[%get3A_6, %get3A_7, %get3A_8, %get3A_9, %get3A_10] : memref<8x6x3x52x52xf32, #tpu.memory_space<vmem>>, vector<8x1x3x52x52xf32>
    %get3A_12 = vector.shape_cast %get3A_11 : vector<8x1x3x52x52xf32> to vector<8x3x52x52xf32>
    %get3A_13 = arith.constant 0 : index
    %get3A_14 = arith.constant 2 : index
    %get3A_15 = arith.constant 0 : index
    %get3A_16 = arith.constant 0 : index
    %get3A_17 = arith.constant 0 : index
    %get3A_18 = vector.load %arg4[%get3A_13, %get3A_14, %get3A_15, %get3A_16, %get3A_17] : memref<8x6x3x52x52xf32, #tpu.memory_space<vmem>>, vector<8x1x3x52x52xf32>
    %get3A_19 = vector.shape_cast %get3A_18 : vector<8x1x3x52x52xf32> to vector<8x3x52x52xf32>
    %get3A_20 = arith.constant 0 : index
    %get3A_21 = arith.constant 3 : index
    %get3A_22 = arith.constant 0 : index
    %get3A_23 = arith.constant 0 : index
    %get3A_24 = arith.constant 0 : index
    %get3A_25 = vector.load %arg4[%get3A_20, %get3A_21, %get3A_22, %get3A_23, %get3A_24] : memref<8x6x3x52x52xf32, #tpu.memory_space<vmem>>, vector<8x1x3x52x52xf32>
    %get3A_26 = vector.shape_cast %get3A_25 : vector<8x1x3x52x52xf32> to vector<8x3x52x52xf32>
    %get3A_27 = arith.constant 0 : index
    %get3A_28 = arith.constant 4 : index
    %get3A_29 = arith.constant 0 : index
    %get3A_30 = arith.constant 0 : index
    %get3A_31 = arith.constant 0 : index
    %get3A_32 = vector.load %arg4[%get3A_27, %get3A_28, %get3A_29, %get3A_30, %get3A_31] : memref<8x6x3x52x52xf32, #tpu.memory_space<vmem>>, vector<8x1x3x52x52xf32>
    %get3A_33 = vector.shape_cast %get3A_32 : vector<8x1x3x52x52xf32> to vector<8x3x52x52xf32>
    %get3A_34 = arith.constant 0 : index
    %get3A_35 = arith.constant 5 : index
    %get3A_36 = arith.constant 0 : index
    %get3A_37 = arith.constant 0 : index
    %get3A_38 = arith.constant 0 : index
    %get3A_39 = vector.load %arg4[%get3A_34, %get3A_35, %get3A_36, %get3A_37, %get3A_38] : memref<8x6x3x52x52xf32, #tpu.memory_space<vmem>>, vector<8x1x3x52x52xf32>
    %get3A_40 = vector.shape_cast %get3A_39 : vector<8x1x3x52x52xf32> to vector<8x3x52x52xf32>
    %get3A_41 = arith.constant 0 : index
    %get3A_42 = arith.constant 0 : index
    %get3A_43 = arith.constant 0 : index
    %get3A_44 = arith.constant 0 : index
    %get3A_45 = vector.load %arg1[%get3A_41, %get3A_42, %get3A_43, %get3A_44] : memref<8x5x52x52xf32, #tpu.memory_space<vmem>>, vector<8x1x52x52xf32>
    %get3A_46 = vector.shape_cast %get3A_45 : vector<8x1x52x52xf32> to vector<8x52x52xf32>
    %get3A_47 = arith.constant 0 : index
    %get3A_48 = arith.constant 0 : index
    %get3A_49 = arith.constant 0 : index
    %get3A_50 = arith.constant 0 : index
    %get3A_51 = vector.load %arg2[%get3A_47, %get3A_48, %get3A_49, %get3A_50] : memref<8x5x52x52xf32, #tpu.memory_space<vmem>>, vector<8x1x52x52xf32>
    %get3A_52 = vector.shape_cast %get3A_51 : vector<8x1x52x52xf32> to vector<8x52x52xf32>
    %get3A_53 = arith.constant 0 : index
    %get3A_54 = arith.constant 0 : index
    %get3A_55 = arith.constant 0 : index
    %get3A_56 = arith.constant 0 : index
    %get3A_57 = vector.load %arg3[%get3A_53, %get3A_54, %get3A_55, %get3A_56] : memref<8x5x52x52xf32, #tpu.memory_space<vmem>>, vector<8x1x52x52xf32>
    %get3A_58 = vector.shape_cast %get3A_57 : vector<8x1x52x52xf32> to vector<8x52x52xf32>
    %stack3A = vector.shape_cast %get3A_46 : vector<8x52x52xf32> to vector<8x1x52x52xf32>
    %stack3A_59 = vector.shape_cast %get3A_52 : vector<8x52x52xf32> to vector<8x1x52x52xf32>
    %stack3A_60 = vector.shape_cast %get3A_58 : vector<8x52x52xf32> to vector<8x1x52x52xf32>
    %stack3A_61 = tpu.concatenate %stack3A, %stack3A_59, %stack3A_60 in 1 : vector<8x1x52x52xf32>, vector<8x1x52x52xf32>, vector<8x1x52x52xf32> -> vector<8x3x52x52xf32>
    %neg3A = arith.constant 0.000000e+00 : f32
    %neg3A_62 = vector.broadcast %neg3A : f32 to vector<8x3x52x52xf32>
    %neg3A_63 = arith.subf %neg3A_62, %stack3A_61 : vector<8x3x52x52xf32>
    %exp3A = math.exp %neg3A_63 : vector<8x3x52x52xf32>
    %add3A = arith.constant 1.000000e+00 : f32
    %add3A_64 = vector.broadcast %add3A : f32 to vector<8x3x52x52xf32>
    %add3A_65 = arith.addf %add3A_64, %exp3A : vector<8x3x52x52xf32>
    %div3A = arith.constant 1.000000e+00 : f32
    %div3A_66 = vector.broadcast %div3A : f32 to vector<8x3x52x52xf32>
    %div3A_67 = arith.divf %div3A_66, %add3A_65 : vector<8x3x52x52xf32>
    %get3A_68 = arith.constant 0 : index
    %get3A_69 = arith.constant 1 : index
    %get3A_70 = arith.constant 0 : index
    %get3A_71 = arith.constant 0 : index
    %get3A_72 = vector.load %arg1[%get3A_68, %get3A_69, %get3A_70, %get3A_71] : memref<8x5x52x52xf32, #tpu.memory_space<vmem>>, vector<8x1x52x52xf32>
    %get3A_73 = vector.shape_cast %get3A_72 : vector<8x1x52x52xf32> to vector<8x52x52xf32>
    %get3A_74 = arith.constant 0 : index
    %get3A_75 = arith.constant 1 : index
    %get3A_76 = arith.constant 0 : index
    %get3A_77 = arith.constant 0 : index
    %get3A_78 = vector.load %arg2[%get3A_74, %get3A_75, %get3A_76, %get3A_77] : memref<8x5x52x52xf32, #tpu.memory_space<vmem>>, vector<8x1x52x52xf32>
    %get3A_79 = vector.shape_cast %get3A_78 : vector<8x1x52x52xf32> to vector<8x52x52xf32>
    %get3A_80 = arith.constant 0 : index
    %get3A_81 = arith.constant 1 : index
    %get3A_82 = arith.constant 0 : index
    %get3A_83 = arith.constant 0 : index
    %get3A_84 = vector.load %arg3[%get3A_80, %get3A_81, %get3A_82, %get3A_83] : memref<8x5x52x52xf32, #tpu.memory_space<vmem>>, vector<8x1x52x52xf32>
    %get3A_85 = vector.shape_cast %get3A_84 : vector<8x1x52x52xf32> to vector<8x52x52xf32>
    %stack3A_86 = vector.shape_cast %get3A_73 : vector<8x52x52xf32> to vector<8x1x52x52xf32>
    %stack3A_87 = vector.shape_cast %get3A_79 : vector<8x52x52xf32> to vector<8x1x52x52xf32>
    %stack3A_88 = vector.shape_cast %get3A_85 : vector<8x52x52xf32> to vector<8x1x52x52xf32>
    %stack3A_89 = tpu.concatenate %stack3A_86, %stack3A_87, %stack3A_88 in 1 : vector<8x1x52x52xf32>, vector<8x1x52x52xf32>, vector<8x1x52x52xf32> -> vector<8x3x52x52xf32>
    %neg3A_90 = arith.constant 0.000000e+00 : f32
    %neg3A_91 = vector.broadcast %neg3A_90 : f32 to vector<8x3x52x52xf32>
    %neg3A_92 = arith.subf %neg3A_91, %stack3A_89 : vector<8x3x52x52xf32>
    %exp3A_93 = math.exp %neg3A_92 : vector<8x3x52x52xf32>
    %add3A_94 = arith.constant 1.000000e+00 : f32
    %add3A_95 = vector.broadcast %add3A_94 : f32 to vector<8x3x52x52xf32>
    %add3A_96 = arith.addf %add3A_95, %exp3A_93 : vector<8x3x52x52xf32>
    %div3A_97 = arith.constant 1.000000e+00 : f32
    %div3A_98 = vector.broadcast %div3A_97 : f32 to vector<8x3x52x52xf32>
    %div3A_99 = arith.divf %div3A_98, %add3A_96 : vector<8x3x52x52xf32>
    %get3A_100 = arith.constant 0 : index
    %get3A_101 = arith.constant 2 : index
    %get3A_102 = arith.constant 0 : index
    %get3A_103 = arith.constant 0 : index
    %get3A_104 = vector.load %arg1[%get3A_100, %get3A_101, %get3A_102, %get3A_103] : memref<8x5x52x52xf32, #tpu.memory_space<vmem>>, vector<8x1x52x52xf32>
    %get3A_105 = vector.shape_cast %get3A_104 : vector<8x1x52x52xf32> to vector<8x52x52xf32>
    %get3A_106 = arith.constant 0 : index
    %get3A_107 = arith.constant 2 : index
    %get3A_108 = arith.constant 0 : index
    %get3A_109 = arith.constant 0 : index
    %get3A_110 = vector.load %arg2[%get3A_106, %get3A_107, %get3A_108, %get3A_109] : memref<8x5x52x52xf32, #tpu.memory_space<vmem>>, vector<8x1x52x52xf32>
    %get3A_111 = vector.shape_cast %get3A_110 : vector<8x1x52x52xf32> to vector<8x52x52xf32>
    %get3A_112 = arith.constant 0 : index
    %get3A_113 = arith.constant 2 : index
    %get3A_114 = arith.constant 0 : index
    %get3A_115 = arith.constant 0 : index
    %get3A_116 = vector.load %arg3[%get3A_112, %get3A_113, %get3A_114, %get3A_115] : memref<8x5x52x52xf32, #tpu.memory_space<vmem>>, vector<8x1x52x52xf32>
    %get3A_117 = vector.shape_cast %get3A_116 : vector<8x1x52x52xf32> to vector<8x52x52xf32>
    %stack3A_118 = vector.shape_cast %get3A_105 : vector<8x52x52xf32> to vector<8x1x52x52xf32>
    %stack3A_119 = vector.shape_cast %get3A_111 : vector<8x52x52xf32> to vector<8x1x52x52xf32>
    %stack3A_120 = vector.shape_cast %get3A_117 : vector<8x52x52xf32> to vector<8x1x52x52xf32>
    %stack3A_121 = tpu.concatenate %stack3A_118, %stack3A_119, %stack3A_120 in 1 : vector<8x1x52x52xf32>, vector<8x1x52x52xf32>, vector<8x1x52x52xf32> -> vector<8x3x52x52xf32>
    %get3A_122 = arith.constant 0 : index
    %get3A_123 = arith.constant 3 : index
    %get3A_124 = arith.constant 0 : index
    %get3A_125 = arith.constant 0 : index
    %get3A_126 = vector.load %arg1[%get3A_122, %get3A_123, %get3A_124, %get3A_125] : memref<8x5x52x52xf32, #tpu.memory_space<vmem>>, vector<8x1x52x52xf32>
    %get3A_127 = vector.shape_cast %get3A_126 : vector<8x1x52x52xf32> to vector<8x52x52xf32>
    %get3A_128 = arith.constant 0 : index
    %get3A_129 = arith.constant 3 : index
    %get3A_130 = arith.constant 0 : index
    %get3A_131 = arith.constant 0 : index
    %get3A_132 = vector.load %arg2[%get3A_128, %get3A_129, %get3A_130, %get3A_131] : memref<8x5x52x52xf32, #tpu.memory_space<vmem>>, vector<8x1x52x52xf32>
    %get3A_133 = vector.shape_cast %get3A_132 : vector<8x1x52x52xf32> to vector<8x52x52xf32>
    %get3A_134 = arith.constant 0 : index
    %get3A_135 = arith.constant 3 : index
    %get3A_136 = arith.constant 0 : index
    %get3A_137 = arith.constant 0 : index
    %get3A_138 = vector.load %arg3[%get3A_134, %get3A_135, %get3A_136, %get3A_137] : memref<8x5x52x52xf32, #tpu.memory_space<vmem>>, vector<8x1x52x52xf32>
    %get3A_139 = vector.shape_cast %get3A_138 : vector<8x1x52x52xf32> to vector<8x52x52xf32>
    %stack3A_140 = vector.shape_cast %get3A_127 : vector<8x52x52xf32> to vector<8x1x52x52xf32>
    %stack3A_141 = vector.shape_cast %get3A_133 : vector<8x52x52xf32> to vector<8x1x52x52xf32>
    %stack3A_142 = vector.shape_cast %get3A_139 : vector<8x52x52xf32> to vector<8x1x52x52xf32>
    %stack3A_143 = tpu.concatenate %stack3A_140, %stack3A_141, %stack3A_142 in 1 : vector<8x1x52x52xf32>, vector<8x1x52x52xf32>, vector<8x1x52x52xf32> -> vector<8x3x52x52xf32>
    %get3A_144 = arith.constant 0 : index
    %get3A_145 = arith.constant 4 : index
    %get3A_146 = arith.constant 0 : index
    %get3A_147 = arith.constant 0 : index
    %get3A_148 = vector.load %arg1[%get3A_144, %get3A_145, %get3A_146, %get3A_147] : memref<8x5x52x52xf32, #tpu.memory_space<vmem>>, vector<8x1x52x52xf32>
    %get3A_149 = vector.shape_cast %get3A_148 : vector<8x1x52x52xf32> to vector<8x52x52xf32>
    %get3A_150 = arith.constant 0 : index
    %get3A_151 = arith.constant 4 : index
    %get3A_152 = arith.constant 0 : index
    %get3A_153 = arith.constant 0 : index
    %get3A_154 = vector.load %arg2[%get3A_150, %get3A_151, %get3A_152, %get3A_153] : memref<8x5x52x52xf32, #tpu.memory_space<vmem>>, vector<8x1x52x52xf32>
    %get3A_155 = vector.shape_cast %get3A_154 : vector<8x1x52x52xf32> to vector<8x52x52xf32>
    %get3A_156 = arith.constant 0 : index
    %get3A_157 = arith.constant 4 : index
    %get3A_158 = arith.constant 0 : index
    %get3A_159 = arith.constant 0 : index
    %get3A_160 = vector.load %arg3[%get3A_156, %get3A_157, %get3A_158, %get3A_159] : memref<8x5x52x52xf32, #tpu.memory_space<vmem>>, vector<8x1x52x52xf32>
    %get3A_161 = vector.shape_cast %get3A_160 : vector<8x1x52x52xf32> to vector<8x52x52xf32>
    %stack3A_162 = vector.shape_cast %get3A_149 : vector<8x52x52xf32> to vector<8x1x52x52xf32>
    %stack3A_163 = vector.shape_cast %get3A_155 : vector<8x52x52xf32> to vector<8x1x52x52xf32>
    %stack3A_164 = vector.shape_cast %get3A_161 : vector<8x52x52xf32> to vector<8x1x52x52xf32>
    %stack3A_165 = tpu.concatenate %stack3A_162, %stack3A_163, %stack3A_164 in 1 : vector<8x1x52x52xf32>, vector<8x1x52x52xf32>, vector<8x1x52x52xf32> -> vector<8x3x52x52xf32>
    %neg3A_166 = arith.constant 0.000000e+00 : f32
    %neg3A_167 = vector.broadcast %neg3A_166 : f32 to vector<8x3x52x52xf32>
    %neg3A_168 = arith.subf %neg3A_167, %stack3A_165 : vector<8x3x52x52xf32>
    %exp3A_169 = math.exp %neg3A_168 : vector<8x3x52x52xf32>
    %add3A_170 = arith.constant 1.000000e+00 : f32
    %add3A_171 = vector.broadcast %add3A_170 : f32 to vector<8x3x52x52xf32>
    %add3A_172 = arith.addf %add3A_171, %exp3A_169 : vector<8x3x52x52xf32>
    %div3A_173 = arith.constant 1.000000e+00 : f32
    %div3A_174 = vector.broadcast %div3A_173 : f32 to vector<8x3x52x52xf32>
    %div3A_175 = arith.divf %div3A_174, %add3A_172 : vector<8x3x52x52xf32>
    %add3A_176 = arith.constant 1.000000e-16 : f32
    %add3A_177 = vector.broadcast %add3A_176 : f32 to vector<8x3x52x52xf32>
    %add3A_178 = arith.addf %get3A_33, %add3A_177 : vector<8x3x52x52xf32>
    %log3A = math.log %add3A_178 : vector<8x3x52x52xf32>
    %mul3A = arith.mulf %get3A_5, %log3A : vector<8x3x52x52xf32>
    %add3A_179 = arith.constant 1.000000e-16 : f32
    %add3A_180 = vector.broadcast %add3A_179 : f32 to vector<8x3x52x52xf32>
    %add3A_181 = arith.addf %get3A_40, %add3A_180 : vector<8x3x52x52xf32>
    %log3A_182 = math.log %add3A_181 : vector<8x3x52x52xf32>
    %mul3A_183 = arith.mulf %get3A_5, %log3A_182 : vector<8x3x52x52xf32>
    %mul3A_184 = arith.mulf %div3A_67, %get3A_5 : vector<8x3x52x52xf32>
    %jit3A = arith.constant 9.99999996E-13 : f32
    %jit3A_185 = arith.constant 1.000000e+00 : f32
    %max3A = vector.broadcast %jit3A : f32 to vector<8x3x52x52xf32>
    %max3A_186 = arith.maximumf %max3A, %mul3A_184 : vector<8x3x52x52xf32>
    %min3A = vector.broadcast %jit3A_185 : f32 to vector<8x3x52x52xf32>
    %min3A_187 = arith.minimumf %min3A, %max3A_186 : vector<8x3x52x52xf32>
    %log3A_188 = math.log %min3A_187 : vector<8x3x52x52xf32>
    %mul3A_189 = arith.mulf %get3A_19, %log3A_188 : vector<8x3x52x52xf32>
    %sub3A = arith.constant 1.000000e+00 : f32
    %sub3A_190 = vector.broadcast %sub3A : f32 to vector<8x3x52x52xf32>
    %sub3A_191 = arith.subf %sub3A_190, %get3A_19 : vector<8x3x52x52xf32>
    %sub3A_192 = arith.constant 1.000000e+00 : f32
    %sub3A_193 = vector.broadcast %sub3A_192 : f32 to vector<8x3x52x52xf32>
    %sub3A_194 = arith.subf %sub3A_193, %min3A_187 : vector<8x3x52x52xf32>
    %log3A_195 = math.log %sub3A_194 : vector<8x3x52x52xf32>
    %mul3A_196 = arith.mulf %sub3A_191, %log3A_195 : vector<8x3x52x52xf32>
    %add3A_197 = arith.addf %mul3A_189, %mul3A_196 : vector<8x3x52x52xf32>
    %reduce_sum3A = vector.shape_cast %add3A_197 : vector<8x3x52x52xf32> to vector<1x8x3x52x52xf32>
    %reduce_sum3A_198 = arith.constant dense<0.000000e+00> : vector<1xf32>
    %reduce_sum3A_199 = vector.multi_reduction <add>, %reduce_sum3A, %reduce_sum3A_198 [1, 2, 3, 4] : vector<1x8x3x52x52xf32> to vector<1xf32>
    %reduce_sum3A_200 = vector.shape_cast %reduce_sum3A_199 : vector<1xf32> to vector<1x1x1x1x1xf32>
    %reduce_sum3A_201 = vector.extract %reduce_sum3A_200[0, 0, 0, 0, 0] : f32 from vector<1x1x1x1x1xf32>
    %neg3A_202 = arith.constant 0.000000e+00 : f32
    %neg3A_203 = arith.subf %neg3A_202, %reduce_sum3A_201 : f32
    %mul3A_204 = arith.mulf %div3A_99, %get3A_5 : vector<8x3x52x52xf32>
    %jit3A_205 = arith.constant 9.99999996E-13 : f32
    %jit3A_206 = arith.constant 1.000000e+00 : f32
    %max3A_207 = vector.broadcast %jit3A_205 : f32 to vector<8x3x52x52xf32>
    %max3A_208 = arith.maximumf %max3A_207, %mul3A_204 : vector<8x3x52x52xf32>
    %min3A_209 = vector.broadcast %jit3A_206 : f32 to vector<8x3x52x52xf32>
    %min3A_210 = arith.minimumf %min3A_209, %max3A_208 : vector<8x3x52x52xf32>
    %log3A_211 = math.log %min3A_210 : vector<8x3x52x52xf32>
    %mul3A_212 = arith.mulf %get3A_26, %log3A_211 : vector<8x3x52x52xf32>
    %sub3A_213 = arith.constant 1.000000e+00 : f32
    %sub3A_214 = vector.broadcast %sub3A_213 : f32 to vector<8x3x52x52xf32>
    %sub3A_215 = arith.subf %sub3A_214, %get3A_26 : vector<8x3x52x52xf32>
    %sub3A_216 = arith.constant 1.000000e+00 : f32
    %sub3A_217 = vector.broadcast %sub3A_216 : f32 to vector<8x3x52x52xf32>
    %sub3A_218 = arith.subf %sub3A_217, %min3A_210 : vector<8x3x52x52xf32>
    %log3A_219 = math.log %sub3A_218 : vector<8x3x52x52xf32>
    %mul3A_220 = arith.mulf %sub3A_215, %log3A_219 : vector<8x3x52x52xf32>
    %add3A_221 = arith.addf %mul3A_212, %mul3A_220 : vector<8x3x52x52xf32>
    %reduce_sum3A_222 = vector.shape_cast %add3A_221 : vector<8x3x52x52xf32> to vector<1x8x3x52x52xf32>
    %reduce_sum3A_223 = arith.constant dense<0.000000e+00> : vector<1xf32>
    %reduce_sum3A_224 = vector.multi_reduction <add>, %reduce_sum3A_222, %reduce_sum3A_223 [1, 2, 3, 4] : vector<1x8x3x52x52xf32> to vector<1xf32>
    %reduce_sum3A_225 = vector.shape_cast %reduce_sum3A_224 : vector<1xf32> to vector<1x1x1x1x1xf32>
    %reduce_sum3A_226 = vector.extract %reduce_sum3A_225[0, 0, 0, 0, 0] : f32 from vector<1x1x1x1x1xf32>
    %neg3A_227 = arith.constant 0.000000e+00 : f32
    %neg3A_228 = arith.subf %neg3A_227, %reduce_sum3A_226 : f32
    %mul3A_229 = arith.mulf %stack3A_121, %get3A_5 : vector<8x3x52x52xf32>
    %sub3A_230 = arith.subf %mul3A_229, %mul3A : vector<8x3x52x52xf32>
    %integer_pow3A = arith.mulf %sub3A_230, %sub3A_230 : vector<8x3x52x52xf32>
    %reduce_sum3A_231 = vector.shape_cast %integer_pow3A : vector<8x3x52x52xf32> to vector<1x8x3x52x52xf32>
    %reduce_sum3A_232 = arith.constant dense<0.000000e+00> : vector<1xf32>
    %reduce_sum3A_233 = vector.multi_reduction <add>, %reduce_sum3A_231, %reduce_sum3A_232 [1, 2, 3, 4] : vector<1x8x3x52x52xf32> to vector<1xf32>
    %reduce_sum3A_234 = vector.shape_cast %reduce_sum3A_233 : vector<1xf32> to vector<1x1x1x1x1xf32>
    %reduce_sum3A_235 = vector.extract %reduce_sum3A_234[0, 0, 0, 0, 0] : f32 from vector<1x1x1x1x1xf32>
    %mul3A_236 = arith.mulf %stack3A_143, %get3A_5 : vector<8x3x52x52xf32>
    %sub3A_237 = arith.subf %mul3A_236, %mul3A_183 : vector<8x3x52x52xf32>
    %integer_pow3A_238 = arith.mulf %sub3A_237, %sub3A_237 : vector<8x3x52x52xf32>
    %reduce_sum3A_239 = vector.shape_cast %integer_pow3A_238 : vector<8x3x52x52xf32> to vector<1x8x3x52x52xf32>
    %reduce_sum3A_240 = arith.constant dense<0.000000e+00> : vector<1xf32>
    %reduce_sum3A_241 = vector.multi_reduction <add>, %reduce_sum3A_239, %reduce_sum3A_240 [1, 2, 3, 4] : vector<1x8x3x52x52xf32> to vector<1xf32>
    %reduce_sum3A_242 = vector.shape_cast %reduce_sum3A_241 : vector<1xf32> to vector<1x1x1x1x1xf32>
    %reduce_sum3A_243 = vector.extract %reduce_sum3A_242[0, 0, 0, 0, 0] : f32 from vector<1x1x1x1x1xf32>
    %mul3A_244 = arith.mulf %div3A_175, %get3A_5 : vector<8x3x52x52xf32>
    %jit3A_245 = arith.constant 9.99999996E-13 : f32
    %jit3A_246 = arith.constant 1.000000e+00 : f32
    %max3A_247 = vector.broadcast %jit3A_245 : f32 to vector<8x3x52x52xf32>
    %max3A_248 = arith.maximumf %max3A_247, %mul3A_244 : vector<8x3x52x52xf32>
    %min3A_249 = vector.broadcast %jit3A_246 : f32 to vector<8x3x52x52xf32>
    %min3A_250 = arith.minimumf %min3A_249, %max3A_248 : vector<8x3x52x52xf32>
    %log3A_251 = math.log %min3A_250 : vector<8x3x52x52xf32>
    %mul3A_252 = arith.mulf %get3A_5, %log3A_251 : vector<8x3x52x52xf32>
    %sub3A_253 = arith.constant 1.000000e+00 : f32
    %sub3A_254 = vector.broadcast %sub3A_253 : f32 to vector<8x3x52x52xf32>
    %sub3A_255 = arith.subf %sub3A_254, %get3A_5 : vector<8x3x52x52xf32>
    %sub3A_256 = arith.constant 1.000000e+00 : f32
    %sub3A_257 = vector.broadcast %sub3A_256 : f32 to vector<8x3x52x52xf32>
    %sub3A_258 = arith.subf %sub3A_257, %min3A_250 : vector<8x3x52x52xf32>
    %log3A_259 = math.log %sub3A_258 : vector<8x3x52x52xf32>
    %mul3A_260 = arith.mulf %sub3A_255, %log3A_259 : vector<8x3x52x52xf32>
    %add3A_261 = arith.addf %mul3A_252, %mul3A_260 : vector<8x3x52x52xf32>
    %reduce_sum3A_262 = vector.shape_cast %add3A_261 : vector<8x3x52x52xf32> to vector<1x8x3x52x52xf32>
    %reduce_sum3A_263 = arith.constant dense<0.000000e+00> : vector<1xf32>
    %reduce_sum3A_264 = vector.multi_reduction <add>, %reduce_sum3A_262, %reduce_sum3A_263 [1, 2, 3, 4] : vector<1x8x3x52x52xf32> to vector<1xf32>
    %reduce_sum3A_265 = vector.shape_cast %reduce_sum3A_264 : vector<1xf32> to vector<1x1x1x1x1xf32>
    %reduce_sum3A_266 = vector.extract %reduce_sum3A_265[0, 0, 0, 0, 0] : f32 from vector<1x1x1x1x1xf32>
    %neg3A_267 = arith.constant 0.000000e+00 : f32
    %neg3A_268 = arith.subf %neg3A_267, %reduce_sum3A_266 : f32
    %mul3A_269 = arith.mulf %div3A_175, %get3A_12 : vector<8x3x52x52xf32>
    %jit3A_270 = arith.constant 9.99999996E-13 : f32
    %jit3A_271 = arith.constant 1.000000e+00 : f32
    %max3A_272 = vector.broadcast %jit3A_270 : f32 to vector<8x3x52x52xf32>
    %max3A_273 = arith.maximumf %max3A_272, %mul3A_269 : vector<8x3x52x52xf32>
    %min3A_274 = vector.broadcast %jit3A_271 : f32 to vector<8x3x52x52xf32>
    %min3A_275 = arith.minimumf %min3A_274, %max3A_273 : vector<8x3x52x52xf32>
    %sub3A_276 = arith.constant 1.000000e+00 : f32
    %sub3A_277 = vector.broadcast %sub3A_276 : f32 to vector<8x3x52x52xf32>
    %sub3A_278 = arith.subf %sub3A_277, %min3A_275 : vector<8x3x52x52xf32>
    %log3A_279 = math.log %sub3A_278 : vector<8x3x52x52xf32>
    %reduce_sum3A_280 = vector.shape_cast %log3A_279 : vector<8x3x52x52xf32> to vector<1x8x3x52x52xf32>
    %reduce_sum3A_281 = arith.constant dense<0.000000e+00> : vector<1xf32>
    %reduce_sum3A_282 = vector.multi_reduction <add>, %reduce_sum3A_280, %reduce_sum3A_281 [1, 2, 3, 4] : vector<1x8x3x52x52xf32> to vector<1xf32>
    %reduce_sum3A_283 = vector.shape_cast %reduce_sum3A_282 : vector<1xf32> to vector<1x1x1x1x1xf32>
    %reduce_sum3A_284 = vector.extract %reduce_sum3A_283[0, 0, 0, 0, 0] : f32 from vector<1x1x1x1x1xf32>
    %neg3A_285 = arith.constant 0.000000e+00 : f32
    %neg3A_286 = arith.subf %neg3A_285, %reduce_sum3A_284 : f32
    %reduce_sum3A_287 = vector.shape_cast %get3A_5 : vector<8x3x52x52xf32> to vector<1x8x3x52x52xf32>
    %reduce_sum3A_288 = arith.constant dense<0.000000e+00> : vector<1xf32>
    %reduce_sum3A_289 = vector.multi_reduction <add>, %reduce_sum3A_287, %reduce_sum3A_288 [1, 2, 3, 4] : vector<1x8x3x52x52xf32> to vector<1xf32>
    %reduce_sum3A_290 = vector.shape_cast %reduce_sum3A_289 : vector<1xf32> to vector<1x1x1x1x1xf32>
    %reduce_sum3A_291 = vector.extract %reduce_sum3A_290[0, 0, 0, 0, 0] : f32 from vector<1x1x1x1x1xf32>
    %get3A_292 = arith.constant 0 : index
    %get3A_293 = arith.constant 0 : index
    %get3A_294 = arith.constant 0 : index
    %get3A_295 = vector.load %arg5[%get3A_292, %get3A_293, %get3A_294] : memref<8x80x64xf32, #tpu.memory_space<vmem>>, vector<8x80x64xf32>
    %neg3A_296 = arith.constant 0.000000e+00 : f32
    %neg3A_297 = vector.broadcast %neg3A_296 : f32 to vector<8x80x64xf32>
    %neg3A_298 = arith.subf %neg3A_297, %get3A_295 : vector<8x80x64xf32>
    %exp3A_299 = math.exp %neg3A_298 : vector<8x80x64xf32>
    %add3A_300 = arith.constant 1.000000e+00 : f32
    %add3A_301 = vector.broadcast %add3A_300 : f32 to vector<8x80x64xf32>
    %add3A_302 = arith.addf %add3A_301, %exp3A_299 : vector<8x80x64xf32>
    %div3A_303 = arith.constant 1.000000e+00 : f32
    %div3A_304 = vector.broadcast %div3A_303 : f32 to vector<8x80x64xf32>
    %div3A_305 = arith.divf %div3A_304, %add3A_302 : vector<8x80x64xf32>
    %jit3A_306 = arith.constant 9.99999996E-13 : f32
    %jit3A_307 = arith.constant 1.000000e+00 : f32
    %max3A_308 = vector.broadcast %jit3A_306 : f32 to vector<8x80x64xf32>
    %max3A_309 = arith.maximumf %max3A_308, %div3A_305 : vector<8x80x64xf32>
    %min3A_310 = vector.broadcast %jit3A_307 : f32 to vector<8x80x64xf32>
    %min3A_311 = arith.minimumf %min3A_310, %max3A_309 : vector<8x80x64xf32>
    %get3A_312 = arith.constant 0 : index
    %get3A_313 = arith.constant 0 : index
    %get3A_314 = arith.constant 0 : index
    %get3A_315 = vector.load %arg6[%get3A_312, %get3A_313, %get3A_314] : memref<8x1x64xf32, #tpu.memory_space<vmem>>, vector<8x1x64xf32>
    %get3A_316 = vector.shape_cast %get3A_315 : vector<8x1x64xf32> to vector<8x64xf32>
    %sub3A_317 = arith.constant 1.000000e+00 : f32
    %sub3A_318 = vector.broadcast %sub3A_317 : f32 to vector<8x80x64xf32>
    %sub3A_319 = arith.subf %sub3A_318, %min3A_311 : vector<8x80x64xf32>
    %log3A_320 = math.log %sub3A_319 : vector<8x80x64xf32>
    %reduce_sum3A_321 = arith.constant dense<0.000000e+00> : vector<8x64xf32>
    %reduce_sum3A_322 = vector.multi_reduction <add>, %log3A_320, %reduce_sum3A_321 [1] : vector<8x80x64xf32> to vector<8x64xf32>
    %slice3A = vector.extract_strided_slice %min3A_311 {offsets = [0, 0, 0], sizes = [8, 1, 64], strides = [1, 1, 1]} : vector<8x80x64xf32> to vector<8x1x64xf32>
    %squeeze3A = vector.shape_cast %slice3A : vector<8x1x64xf32> to vector<8x64xf32>
    %log3A_323 = math.log %squeeze3A : vector<8x64xf32>
    %add3A_324 = arith.addf %reduce_sum3A_322, %log3A_323 : vector<8x64xf32>
    %sub3A_325 = arith.constant 1.000000e+00 : f32
    %sub3A_326 = vector.broadcast %sub3A_325 : f32 to vector<8x64xf32>
    %sub3A_327 = arith.subf %sub3A_326, %squeeze3A : vector<8x64xf32>
    %log3A_328 = math.log %sub3A_327 : vector<8x64xf32>
    %sub3A_329 = arith.subf %add3A_324, %log3A_328 : vector<8x64xf32>
    %mul3A_330 = arith.mulf %get3A_316, %sub3A_329 : vector<8x64xf32>
    %reduce_sum3A_331 = vector.shape_cast %mul3A_330 : vector<8x64xf32> to vector<1x8x64xf32>
    %reduce_sum3A_332 = arith.constant dense<0.000000e+00> : vector<1xf32>
    %reduce_sum3A_333 = vector.multi_reduction <add>, %reduce_sum3A_331, %reduce_sum3A_332 [1, 2] : vector<1x8x64xf32> to vector<1xf32>
    %reduce_sum3A_334 = vector.shape_cast %reduce_sum3A_333 : vector<1xf32> to vector<1x1x1xf32>
    %reduce_sum3A_335 = vector.extract %reduce_sum3A_334[0, 0, 0] : f32 from vector<1x1x1xf32>
    %iota3A = tpu.iota {dimensions = array<i32: 1>} : vector<1x128xi32>
    %broadcast_in_dim3A = arith.constant 0.000000e+00 : f32
    %broadcast_in_dim3A_336 = vector.broadcast %broadcast_in_dim3A : f32 to vector<1x128xf32>
    %eq3A = arith.constant 0 : i32
    %eq3A_337 = vector.broadcast %eq3A : i32 to vector<1x128xi32>
    %eq3A_338 = arith.cmpi eq, %iota3A, %eq3A_337 : vector<1x128xi32>
    %jit3A_339 = arith.constant 0.000000e+00 : f32
    %broadcast_in_dim3A_340 = vector.broadcast %neg3A_203 : f32 to vector<1x128xf32>
    %broadcast_in_dim3A_341 = vector.broadcast %jit3A_339 : f32 to vector<1x128xf32>
    %select_n3A = arith.select %eq3A_338, %broadcast_in_dim3A_340, %broadcast_in_dim3A_341 : vector<1x128xi1>, vector<1x128xf32>
    %add3A_342 = arith.addf %broadcast_in_dim3A_336, %select_n3A : vector<1x128xf32>
    %eq3A_343 = arith.constant 1 : i32
    %eq3A_344 = vector.broadcast %eq3A_343 : i32 to vector<1x128xi32>
    %eq3A_345 = arith.cmpi eq, %iota3A, %eq3A_344 : vector<1x128xi32>
    %jit3A_346 = arith.constant 0.000000e+00 : f32
    %broadcast_in_dim3A_347 = vector.broadcast %neg3A_228 : f32 to vector<1x128xf32>
    %broadcast_in_dim3A_348 = vector.broadcast %jit3A_346 : f32 to vector<1x128xf32>
    %select_n3A_349 = arith.select %eq3A_345, %broadcast_in_dim3A_347, %broadcast_in_dim3A_348 : vector<1x128xi1>, vector<1x128xf32>
    %add3A_350 = arith.addf %add3A_342, %select_n3A_349 : vector<1x128xf32>
    %eq3A_351 = arith.constant 2 : i32
    %eq3A_352 = vector.broadcast %eq3A_351 : i32 to vector<1x128xi32>
    %eq3A_353 = arith.cmpi eq, %iota3A, %eq3A_352 : vector<1x128xi32>
    %jit3A_354 = arith.constant 0.000000e+00 : f32
    %broadcast_in_dim3A_355 = vector.broadcast %reduce_sum3A_235 : f32 to vector<1x128xf32>
    %broadcast_in_dim3A_356 = vector.broadcast %jit3A_354 : f32 to vector<1x128xf32>
    %select_n3A_357 = arith.select %eq3A_353, %broadcast_in_dim3A_355, %broadcast_in_dim3A_356 : vector<1x128xi1>, vector<1x128xf32>
    %add3A_358 = arith.addf %add3A_350, %select_n3A_357 : vector<1x128xf32>
    %eq3A_359 = arith.constant 3 : i32
    %eq3A_360 = vector.broadcast %eq3A_359 : i32 to vector<1x128xi32>
    %eq3A_361 = arith.cmpi eq, %iota3A, %eq3A_360 : vector<1x128xi32>
    %jit3A_362 = arith.constant 0.000000e+00 : f32
    %broadcast_in_dim3A_363 = vector.broadcast %reduce_sum3A_243 : f32 to vector<1x128xf32>
    %broadcast_in_dim3A_364 = vector.broadcast %jit3A_362 : f32 to vector<1x128xf32>
    %select_n3A_365 = arith.select %eq3A_361, %broadcast_in_dim3A_363, %broadcast_in_dim3A_364 : vector<1x128xi1>, vector<1x128xf32>
    %add3A_366 = arith.addf %add3A_358, %select_n3A_365 : vector<1x128xf32>
    %eq3A_367 = arith.constant 4 : i32
    %eq3A_368 = vector.broadcast %eq3A_367 : i32 to vector<1x128xi32>
    %eq3A_369 = arith.cmpi eq, %iota3A, %eq3A_368 : vector<1x128xi32>
    %jit3A_370 = arith.constant 0.000000e+00 : f32
    %broadcast_in_dim3A_371 = vector.broadcast %neg3A_268 : f32 to vector<1x128xf32>
    %broadcast_in_dim3A_372 = vector.broadcast %jit3A_370 : f32 to vector<1x128xf32>
    %select_n3A_373 = arith.select %eq3A_369, %broadcast_in_dim3A_371, %broadcast_in_dim3A_372 : vector<1x128xi1>, vector<1x128xf32>
    %add3A_374 = arith.addf %add3A_366, %select_n3A_373 : vector<1x128xf32>
    %eq3A_375 = arith.constant 5 : i32
    %eq3A_376 = vector.broadcast %eq3A_375 : i32 to vector<1x128xi32>
    %eq3A_377 = arith.cmpi eq, %iota3A, %eq3A_376 : vector<1x128xi32>
    %jit3A_378 = arith.constant 0.000000e+00 : f32
    %broadcast_in_dim3A_379 = vector.broadcast %neg3A_286 : f32 to vector<1x128xf32>
    %broadcast_in_dim3A_380 = vector.broadcast %jit3A_378 : f32 to vector<1x128xf32>
    %select_n3A_381 = arith.select %eq3A_377, %broadcast_in_dim3A_379, %broadcast_in_dim3A_380 : vector<1x128xi1>, vector<1x128xf32>
    %add3A_382 = arith.addf %add3A_374, %select_n3A_381 : vector<1x128xf32>
    %eq3A_383 = arith.constant 6 : i32
    %eq3A_384 = vector.broadcast %eq3A_383 : i32 to vector<1x128xi32>
    %eq3A_385 = arith.cmpi eq, %iota3A, %eq3A_384 : vector<1x128xi32>
    %jit3A_386 = arith.constant 0.000000e+00 : f32
    %broadcast_in_dim3A_387 = vector.broadcast %reduce_sum3A_335 : f32 to vector<1x128xf32>
    %broadcast_in_dim3A_388 = vector.broadcast %jit3A_386 : f32 to vector<1x128xf32>
    %select_n3A_389 = arith.select %eq3A_385, %broadcast_in_dim3A_387, %broadcast_in_dim3A_388 : vector<1x128xi1>, vector<1x128xf32>
    %add3A_390 = arith.addf %add3A_382, %select_n3A_389 : vector<1x128xf32>
    %eq3A_391 = arith.constant 7 : i32
    %eq3A_392 = vector.broadcast %eq3A_391 : i32 to vector<1x128xi32>
    %eq3A_393 = arith.cmpi eq, %iota3A, %eq3A_392 : vector<1x128xi32>
    %jit3A_394 = arith.constant 0.000000e+00 : f32
    %broadcast_in_dim3A_395 = vector.broadcast %reduce_sum3A_291 : f32 to vector<1x128xf32>
    %broadcast_in_dim3A_396 = vector.broadcast %jit3A_394 : f32 to vector<1x128xf32>
    %select_n3A_397 = arith.select %eq3A_393, %broadcast_in_dim3A_395, %broadcast_in_dim3A_396 : vector<1x128xi1>, vector<1x128xf32>
    %add3A_398 = arith.addf %add3A_390, %select_n3A_397 : vector<1x128xf32>
    %eq3A_399 = arith.constant 0 : i32
    %eq3A_400 = arith.cmpi eq, %arg0, %eq3A_399 : i32
    %convert_element_type3A = arith.extui %eq3A_400 : i1 to i32
    %cond3A = arith.constant 0 : i32
    %cond3A_401 = arith.cmpi ne, %convert_element_type3A, %cond3A : i32
    scf.if %cond3A_401 {
      %broadcast_in_dim3A_413 = arith.constant 0.000000e+00 : f32
      %broadcast_in_dim3A_414 = vector.broadcast %broadcast_in_dim3A_413 : f32 to vector<1x128xf32>
      %swap3A_415 = arith.constant 0 : index
      %swap3A_416 = arith.constant 0 : index
      %swap3A_417 = vector.load %arg7[%swap3A_415, %swap3A_416] : memref<1x128xf32, #tpu.memory_space<vmem>>, vector<1x128xf32>
      tpu.vector_store %arg7[%swap3A_415, %swap3A_416], %broadcast_in_dim3A_414 {strides = array<i32>} : memref<1x128xf32, #tpu.memory_space<vmem>>, vector<1x128xf32>,
    } else {
    }
    %get3A_402 = arith.constant 0 : index
    %get3A_403 = arith.constant 0 : index
    %get3A_404 = vector.load %arg7[%get3A_402, %get3A_403] : memref<1x128xf32, #tpu.memory_space<vmem>>, vector<1x128xf32>
    %add3A_405 = arith.addf %get3A_404, %add3A_398 : vector<1x128xf32>
    %swap3A = arith.constant 0 : index
    %swap3A_406 = arith.constant 0 : index
    %swap3A_407 = vector.load %arg7[%swap3A, %swap3A_406] : memref<1x128xf32, #tpu.memory_space<vmem>>, vector<1x128xf32>
    tpu.vector_store %arg7[%swap3A, %swap3A_406], %add3A_405 {strides = array<i32>} : memref<1x128xf32, #tpu.memory_space<vmem>>, vector<1x128xf32>,
    %eq3A_408 = arith.constant 3 : i32
    %eq3A_409 = arith.cmpi eq, %arg0, %eq3A_408 : i32
    %convert_element_type3A_410 = arith.extui %eq3A_409 : i1 to i32
    %cond3A_411 = arith.constant 0 : i32
    %cond3A_412 = arith.cmpi ne, %convert_element_type3A_410, %cond3A_411 : i32
    scf.if %cond3A_412 {
      %eq3A_413 = arith.constant 0 : i32
      %eq3A_414 = vector.broadcast %eq3A_413 : i32 to vector<1x128xi32>
      %eq3A_415 = arith.cmpi eq, %iota3A, %eq3A_414 : vector<1x128xi32>
      %convert_element_type3A_416 = arith.extui %eq3A_415 : vector<1x128xi1> to vector<1x128xi32>
      %convert_element_type3A_417 = arith.sitofp %convert_element_type3A_416 : vector<1x128xi32> to vector<1x128xf32>
      %mul3A_418 = arith.mulf %add3A_405, %convert_element_type3A_417 : vector<1x128xf32>
      %reduce_sum3A_419 = vector.shape_cast %mul3A_418 : vector<1x128xf32> to vector<1x1x128xf32>
      %reduce_sum3A_420 = arith.constant dense<0.000000e+00> : vector<1xf32>
      %reduce_sum3A_421 = vector.multi_reduction <add>, %reduce_sum3A_419, %reduce_sum3A_420 [1, 2] : vector<1x1x128xf32> to vector<1xf32>
      %reduce_sum3A_422 = vector.shape_cast %reduce_sum3A_421 : vector<1xf32> to vector<1x1x1xf32>
      %reduce_sum3A_423 = vector.extract %reduce_sum3A_422[0, 0, 0] : f32 from vector<1x1x1xf32>
      %eq3A_424 = arith.constant 1 : i32
      %eq3A_425 = vector.broadcast %eq3A_424 : i32 to vector<1x128xi32>
      %eq3A_426 = arith.cmpi eq, %iota3A, %eq3A_425 : vector<1x128xi32>
      %convert_element_type3A_427 = arith.extui %eq3A_426 : vector<1x128xi1> to vector<1x128xi32>
      %convert_element_type3A_428 = arith.sitofp %convert_element_type3A_427 : vector<1x128xi32> to vector<1x128xf32>
      %mul3A_429 = arith.mulf %add3A_405, %convert_element_type3A_428 : vector<1x128xf32>
      %reduce_sum3A_430 = vector.shape_cast %mul3A_429 : vector<1x128xf32> to vector<1x1x128xf32>
      %reduce_sum3A_431 = arith.constant dense<0.000000e+00> : vector<1xf32>
      %reduce_sum3A_432 = vector.multi_reduction <add>, %reduce_sum3A_430, %reduce_sum3A_431 [1, 2] : vector<1x1x128xf32> to vector<1xf32>
      %reduce_sum3A_433 = vector.shape_cast %reduce_sum3A_432 : vector<1xf32> to vector<1x1x1xf32>
      %reduce_sum3A_434 = vector.extract %reduce_sum3A_433[0, 0, 0] : f32 from vector<1x1x1xf32>
      %add3A_435 = arith.addf %reduce_sum3A_423, %reduce_sum3A_434 : f32
      %mul3A_436 = arith.constant 2.500000e+00 : f32
      %mul3A_437 = arith.mulf %mul3A_436, %add3A_435 : f32
      %div3A_438 = arith.constant 2.595840e+05 : f32
      %div3A_439 = arith.divf %mul3A_437, %div3A_438 : f32
      %eq3A_440 = arith.constant 2 : i32
      %eq3A_441 = vector.broadcast %eq3A_440 : i32 to vector<1x128xi32>
      %eq3A_442 = arith.cmpi eq, %iota3A, %eq3A_441 : vector<1x128xi32>
      %convert_element_type3A_443 = arith.extui %eq3A_442 : vector<1x128xi1> to vector<1x128xi32>
      %convert_element_type3A_444 = arith.sitofp %convert_element_type3A_443 : vector<1x128xi32> to vector<1x128xf32>
      %mul3A_445 = arith.mulf %add3A_405, %convert_element_type3A_444 : vector<1x128xf32>
      %reduce_sum3A_446 = vector.shape_cast %mul3A_445 : vector<1x128xf32> to vector<1x1x128xf32>
      %reduce_sum3A_447 = arith.constant dense<0.000000e+00> : vector<1xf32>
      %reduce_sum3A_448 = vector.multi_reduction <add>, %reduce_sum3A_446, %reduce_sum3A_447 [1, 2] : vector<1x1x128xf32> to vector<1xf32>
      %reduce_sum3A_449 = vector.shape_cast %reduce_sum3A_448 : vector<1xf32> to vector<1x1x1xf32>
      %reduce_sum3A_450 = vector.extract %reduce_sum3A_449[0, 0, 0] : f32 from vector<1x1x1xf32>
      %eq3A_451 = arith.constant 3 : i32
      %eq3A_452 = vector.broadcast %eq3A_451 : i32 to vector<1x128xi32>
      %eq3A_453 = arith.cmpi eq, %iota3A, %eq3A_452 : vector<1x128xi32>
      %convert_element_type3A_454 = arith.extui %eq3A_453 : vector<1x128xi1> to vector<1x128xi32>
      %convert_element_type3A_455 = arith.sitofp %convert_element_type3A_454 : vector<1x128xi32> to vector<1x128xf32>
      %mul3A_456 = arith.mulf %add3A_405, %convert_element_type3A_455 : vector<1x128xf32>
      %reduce_sum3A_457 = vector.shape_cast %mul3A_456 : vector<1x128xf32> to vector<1x1x128xf32>
      %reduce_sum3A_458 = arith.constant dense<0.000000e+00> : vector<1xf32>
      %reduce_sum3A_459 = vector.multi_reduction <add>, %reduce_sum3A_457, %reduce_sum3A_458 [1, 2] : vector<1x1x128xf32> to vector<1xf32>
      %reduce_sum3A_460 = vector.shape_cast %reduce_sum3A_459 : vector<1xf32> to vector<1x1x1xf32>
      %reduce_sum3A_461 = vector.extract %reduce_sum3A_460[0, 0, 0] : f32 from vector<1x1x1xf32>
      %add3A_462 = arith.addf %reduce_sum3A_450, %reduce_sum3A_461 : f32
      %mul3A_463 = arith.constant 2.500000e+00 : f32
      %mul3A_464 = arith.mulf %mul3A_463, %add3A_462 : f32
      %div3A_465 = arith.constant 2.595840e+05 : f32
      %div3A_466 = arith.divf %mul3A_464, %div3A_465 : f32
      %add3A_467 = arith.addf %div3A_439, %div3A_466 : f32
      %eq3A_468 = arith.constant 4 : i32
      %eq3A_469 = vector.broadcast %eq3A_468 : i32 to vector<1x128xi32>
      %eq3A_470 = arith.cmpi eq, %iota3A, %eq3A_469 : vector<1x128xi32>
      %convert_element_type3A_471 = arith.extui %eq3A_470 : vector<1x128xi1> to vector<1x128xi32>
      %convert_element_type3A_472 = arith.sitofp %convert_element_type3A_471 : vector<1x128xi32> to vector<1x128xf32>
      %mul3A_473 = arith.mulf %add3A_405, %convert_element_type3A_472 : vector<1x128xf32>
      %reduce_sum3A_474 = vector.shape_cast %mul3A_473 : vector<1x128xf32> to vector<1x1x128xf32>
      %reduce_sum3A_475 = arith.constant dense<0.000000e+00> : vector<1xf32>
      %reduce_sum3A_476 = vector.multi_reduction <add>, %reduce_sum3A_474, %reduce_sum3A_475 [1, 2] : vector<1x1x128xf32> to vector<1xf32>
      %reduce_sum3A_477 = vector.shape_cast %reduce_sum3A_476 : vector<1xf32> to vector<1x1x1xf32>
      %reduce_sum3A_478 = vector.extract %reduce_sum3A_477[0, 0, 0] : f32 from vector<1x1x1xf32>
      %div3A_479 = arith.constant 2.595840e+05 : f32
      %div3A_480 = arith.divf %reduce_sum3A_478, %div3A_479 : f32
      %add3A_481 = arith.addf %add3A_467, %div3A_480 : f32
      %eq3A_482 = arith.constant 5 : i32
      %eq3A_483 = vector.broadcast %eq3A_482 : i32 to vector<1x128xi32>
      %eq3A_484 = arith.cmpi eq, %iota3A, %eq3A_483 : vector<1x128xi32>
      %convert_element_type3A_485 = arith.extui %eq3A_484 : vector<1x128xi1> to vector<1x128xi32>
      %convert_element_type3A_486 = arith.sitofp %convert_element_type3A_485 : vector<1x128xi32> to vector<1x128xf32>
      %mul3A_487 = arith.mulf %add3A_405, %convert_element_type3A_486 : vector<1x128xf32>
      %reduce_sum3A_488 = vector.shape_cast %mul3A_487 : vector<1x128xf32> to vector<1x1x128xf32>
      %reduce_sum3A_489 = arith.constant dense<0.000000e+00> : vector<1xf32>
      %reduce_sum3A_490 = vector.multi_reduction <add>, %reduce_sum3A_488, %reduce_sum3A_489 [1, 2] : vector<1x1x128xf32> to vector<1xf32>
      %reduce_sum3A_491 = vector.shape_cast %reduce_sum3A_490 : vector<1xf32> to vector<1x1x1xf32>
      %reduce_sum3A_492 = vector.extract %reduce_sum3A_491[0, 0, 0] : f32 from vector<1x1x1xf32>
      %mul3A_493 = arith.constant 5.000000e-01 : f32
      %mul3A_494 = arith.mulf %mul3A_493, %reduce_sum3A_492 : f32
      %div3A_495 = arith.constant 2.595840e+05 : f32
      %div3A_496 = arith.divf %mul3A_494, %div3A_495 : f32
      %add3A_497 = arith.addf %add3A_481, %div3A_496 : f32
      %eq3A_498 = arith.constant 6 : i32
      %eq3A_499 = vector.broadcast %eq3A_498 : i32 to vector<1x128xi32>
      %eq3A_500 = arith.cmpi eq, %iota3A, %eq3A_499 : vector<1x128xi32>
      %convert_element_type3A_501 = arith.extui %eq3A_500 : vector<1x128xi1> to vector<1x128xi32>
      %convert_element_type3A_502 = arith.sitofp %convert_element_type3A_501 : vector<1x128xi32> to vector<1x128xf32>
      %mul3A_503 = arith.mulf %add3A_405, %convert_element_type3A_502 : vector<1x128xf32>
      %reduce_sum3A_504 = vector.shape_cast %mul3A_503 : vector<1x128xf32> to vector<1x1x128xf32>
      %reduce_sum3A_505 = arith.constant dense<0.000000e+00> : vector<1xf32>
      %reduce_sum3A_506 = vector.multi_reduction <add>, %reduce_sum3A_504, %reduce_sum3A_505 [1, 2] : vector<1x1x128xf32> to vector<1xf32>
      %reduce_sum3A_507 = vector.shape_cast %reduce_sum3A_506 : vector<1xf32> to vector<1x1x1xf32>
      %reduce_sum3A_508 = vector.extract %reduce_sum3A_507[0, 0, 0] : f32 from vector<1x1x1xf32>
      %eq3A_509 = arith.constant 7 : i32
      %eq3A_510 = vector.broadcast %eq3A_509 : i32 to vector<1x128xi32>
      %eq3A_511 = arith.cmpi eq, %iota3A, %eq3A_510 : vector<1x128xi32>
      %convert_element_type3A_512 = arith.extui %eq3A_511 : vector<1x128xi1> to vector<1x128xi32>
      %convert_element_type3A_513 = arith.sitofp %convert_element_type3A_512 : vector<1x128xi32> to vector<1x128xf32>
      %mul3A_514 = arith.mulf %add3A_405, %convert_element_type3A_513 : vector<1x128xf32>
      %reduce_sum3A_515 = vector.shape_cast %mul3A_514 : vector<1x128xf32> to vector<1x1x128xf32>
      %reduce_sum3A_516 = arith.constant dense<0.000000e+00> : vector<1xf32>
      %reduce_sum3A_517 = vector.multi_reduction <add>, %reduce_sum3A_515, %reduce_sum3A_516 [1, 2] : vector<1x1x128xf32> to vector<1xf32>
      %reduce_sum3A_518 = vector.shape_cast %reduce_sum3A_517 : vector<1xf32> to vector<1x1x1xf32>
      %reduce_sum3A_519 = vector.extract %reduce_sum3A_518[0, 0, 0] : f32 from vector<1x1x1xf32>
      %mul3A_520 = arith.constant 8.000000e+01 : f32
      %mul3A_521 = arith.mulf %reduce_sum3A_519, %mul3A_520 : f32
      %div3A_522 = arith.divf %reduce_sum3A_508, %mul3A_521 : f32
      %sub3A_523 = arith.subf %add3A_497, %div3A_522 : f32
      %broadcast_in_dim3A_524 = vector.broadcast %sub3A_523 : f32 to vector<1x128xf32>
      %swap3A_525 = arith.constant 0 : index
      %swap3A_526 = arith.constant 0 : index
      %swap3A_527 = vector.load %arg7[%swap3A_525, %swap3A_526] : memref<1x128xf32, #tpu.memory_space<vmem>>, vector<1x128xf32>
      tpu.vector_store %arg7[%swap3A_525, %swap3A_526], %broadcast_in_dim3A_524 {strides = array<i32>} : memref<1x128xf32, #tpu.memory_space<vmem>>, vector<1x128xf32>,
    } else {
    }
    return
  }
  func.func @transform_0(%arg0: i32) -> (i32, i32, i32, i32) {
    %c0_i32 = arith.constant 0 : i32
    %c0_i32_0 = arith.constant 0 : i32
    %c0_i32_1 = arith.constant 0 : i32
    %c0_i32_2 = arith.constant 0 : i32
    return %arg0, %c0_i32, %c0_i32_0, %c0_i32_1 : i32, i32, i32, i32
  }
  func.func @transform_1(%arg0: i32) -> (i32, i32, i32, i32) {
    %c17_i32 = arith.constant 17 : i32
    %c0_i32 = arith.constant 0 : i32
    %c0_i32_0 = arith.constant 0 : i32
    %c0_i32_1 = arith.constant 0 : i32
    return %arg0, %c17_i32, %c0_i32, %c0_i32_0 : i32, i32, i32, i32
  }
  func.func @transform_2(%arg0: i32) -> (i32, i32, i32, i32) {
    %c34_i32 = arith.constant 34 : i32
    %c0_i32 = arith.constant 0 : i32
    %c0_i32_0 = arith.constant 0 : i32
    %c0_i32_1 = arith.constant 0 : i32
    return %arg0, %c34_i32, %c0_i32, %c0_i32_0 : i32, i32, i32, i32
  }
  func.func @transform_3(%arg0: i32) -> (i32, i32, i32, i32, i32) {
    %c0_i32 = arith.constant 0 : i32
    %c0_i32_0 = arith.constant 0 : i32
    %c0_i32_1 = arith.constant 0 : i32
    %c0_i32_2 = arith.constant 0 : i32
    %c0_i32_3 = arith.constant 0 : i32
    return %arg0, %c0_i32, %c0_i32_0, %c0_i32_1, %c0_i32_2 : i32, i32, i32, i32, i32
  }
  func.func @transform_4(%arg0: i32) -> (i32, i32, i32) {
    %c0_i32 = arith.constant 0 : i32
    %c0_i32_0 = arith.constant 0 : i32
    %c0_i32_1 = arith.constant 0 : i32
    return %arg0, %c0_i32, %c0_i32_0 : i32, i32, i32
  }
  func.func @transform_5(%arg0: i32) -> (i32, i32, i32) {
    %c0_i32 = arith.constant 0 : i32
    %c0_i32_0 = arith.constant 0 : i32
    %c0_i32_1 = arith.constant 0 : i32
    return %arg0, %c0_i32, %c0_i32_0 : i32, i32, i32
  }
  func.func @transform_6(%arg0: i32) -> (i32, i32) {
    %c0_i32 = arith.constant 0 : i32
    %c0_i32_0 = arith.constant 0 : i32
    %c0_i32_1 = arith.constant 0 : i32
    return %c0_i32, %c0_i32_0 : i32, i32
  }
}

</mosaic_0001>

<sc_bundles>
// kernel: kernel.4.cloned.1.call-start
scs
__scs_entry_jumppad:
0x0: {  	(pc) =	sbr.rel $0x88, $3  }
0x1: {  	(tag) =	ssettag $0x0;
	lr =	simm.s32 $0x1  }
0x2: {  	[smem:$0x3F9F] =	sst lr;
	_ =	strace $0xD0000000  }
0x3: {  	_ = 	snop  }
0x4: {  	_ = 	snop  }
0x5: {  	_ = 	snop  }
0x6: {  	_ = 	snop  }
0x7: {  	_ = 	snop  }
__scs_overlays_trampoline_lowered:
0x8: {  	[smem:$0x3FAE] =	sst s0  }
0x9: {  	[smem:$0x3FAF] =	sst s1  }
0xa: {  	[smem:$0x3FB0] =	sst s2  }
0xb: {  	[smem:$0x3FB1] =	sst s3  }
0xc: {  	[smem:$0x3FB2] =	sst s4  }
0xd: {  	[smem:$0x3FB3] =	sst s5  }
0xe: {  	[smem:$0x3FB4] =	sst s6  }
0xf: {  	[smem:$0x3FB5] =	sst s7  }
0x10: {  	[smem:$0x3FB6] =	sst s8  }
0x11: {  	[smem:$0x3FB7] =	sst s9;
	s0 =	simm.s32 @!p0 $0x0  }
0x12: {  	s1 =	sld [smem:$0x3F9D];
	s0 =	simm.s32 @p0 $0x1  }
0x13: {  	[smem:$0x3FB8] =	sst s0;
	s0 =	simm.s32 @!p1 $0x0  }
0x14: {  	s2 =	sld [smem:$0x3F9C];
	s0 =	simm.s32 @p1 $0x1  }
0x15: {  	[smem:$0x3FB9] =	sst s0;
	s0 =	simm.s32 @!p2 $0x0  }
0x16: {  	s3 =	sld [smem:$0x3FDB];
	s0 =	simm.s32 @p2 $0x1  }
0x17: {  	s4 =	simm.s32 $0x1BF5;
	[smem:$0x3FBB] =	sst s0  }
0x18: {  	s0 =	sld [smem:$0x3F9E];
	_ =	swait.ge [sflag:s4], $0x0  }
0x19: {  	s7 =	sld [smem:$0x3F9F]  }
0x1a: {  	s8 =	sadd.s32 $0xFFFFE003, lr  }
0x1b: {  	s9 =	sadd.s32 $0xFFFFFEF7, lr;
	s5 =	simm.s32 $0xFFFFFFFF;
	p2 =	slt.u32 s8, $0xFFFFF086  }
0x1c: {  	p1 =	slt.u32 s9, $0xF7A;
	s5 =	simm.s32 @!p2 $0x0  }
0x1d: {  	s5 =	simm.s32 @p1 $0x1;
	p0 =	seq.s32 s7, s2  }
0x1e: {  	s7 =	smul.u32 @!p0 $0xF7A, s2;
	p2 =	seq.s32 @!p0 s5, $0x0  }
0x1f: {  	s9 =	smul.u32 $0xF7A, s1;
	s8 =	simm.s32 @!p0 $0x1BF5;
	p2 =	por !p2, p0  }
0x20: {  	[sflag:s8] =	ssyncset.s32 @!p0 $0xFFFFF086;
	s6 =	sadd.s32 @!p0 s3, s7;
	s7 =	simm.s32 @!p0 $0x108  }
0x21: {  	s3 =	sadd.s32 s3, s9;
	s6 =	sadd.s32 @!p0 $0x88, s6;
	s7 =	simm.s32 @p2 $0x1082  }
0x22: {  	[simem:s7], [sflag:s8] =	dma.local @!p0 [hbm:s6], $0xF7A  }
0x23: {  	s9 =	sor.u32 $0xD0000000, s2;
	s6 =	simm.s32 $0x108;
	_ =	swait.ge @!p0 [sflag:s8], $0x0  }
0x24: {  	s3 =	sadd.s32 $0x88, s3;
	s6 =	simm.s32 @!p1 $0x1082;
	[sflag:s4] =	ssyncset.s32 $0xFFFFF086  }
0x25: {  	[simem:s6], [sflag:s4] =	dma.local [hbm:s3], $0xF7A  }
0x26: {  	[smem:$0x3F9F] =	sst s1;
	(tag) =	ssettag s2;
	_ =	strace s9  }
0x27: {  	s1 =	sld [smem:$0x3FAF]  }
0x28: {  	s2 =	sld [smem:$0x3FB0]  }
0x29: {  	s4 =	sld [smem:$0x3FB2]  }
0x2a: {  	p0 =	seq.s32 s5, $0x0;
	s5 =	sld [smem:$0x3FB3]  }
0x2b: {  	s6 =	sld [smem:$0x3FB4]  }
0x2c: {  	s7 =	sld [smem:$0x3FB5]  }
0x2d: {  	s3 =	simm.s32 $0x108;
	s8 =	sld [smem:$0x3FB6]  }
0x2e: {  	s3 =	simm.s32 @!p0 $0x1082;
	s9 =	sld [smem:$0x3FB7]  }
0x2f: {  	lr =	sadd.s32 s0, s3;
	s0 =	sld [smem:$0x3FAE]  }
0x30: {  	s3 =	sld [smem:$0x3FB1]  }
0x31: {  	[smem:$0x3FBA] =	sst s10  }
0x32: {  	s10 =	sld [smem:$0x3FB8];
	_ =	sdelay $0x3  }
0x33: {  	p0 =	seq.s32 s10, $0x1;
	s10 =	sld [smem:$0x3FBA];
	_ =	sdelay $0x3  }
0x34: {  	[smem:$0x3FBA] =	sst s10  }
0x35: {  	s10 =	sld [smem:$0x3FB9];
	_ =	sdelay $0x3  }
0x36: {  	p1 =	seq.s32 s10, $0x1;
	s10 =	sld [smem:$0x3FBA];
	_ =	sdelay $0x3  }
0x37: {  	[smem:$0x3FBA] =	sst s10  }
0x38: {  	s10 =	sld [smem:$0x3FBB]  }
0x39: {  	_ = 	snop;
	(pc) =	sbr.ind lr, $3  }
0x3a: {  	_ = 	snop  }
0x3b: {  	_ = 	snop  }
0x3c: {  	p2 =	seq.s32 s10, $0x1;
	s10 =	sld [smem:$0x3FBA]  }
0x3d: {  	_ =	shalt  }
0x3e: {  	_ =	shalt  }
0x3f: {  	_ =	shalt  }
0x40: {  	_ =	shalt  }
0x41: {  	_ =	shalt  }
0x42: {  	_ =	shalt  }
0x43: {  	_ =	shalt  }
0x44: {  	_ =	shalt  }
0x45: {  	_ =	shalt  }
0x46: {  	_ =	shalt  }
0x47: {  	_ =	shalt  }
0x48: {  	_ =	shalt  }
0x49: {  	_ =	shalt  }
0x4a: {  	_ =	shalt  }
0x4b: {  	_ =	shalt  }
0x4c: {  	_ =	shalt  }
0x4d: {  	_ =	shalt  }
0x4e: {  	_ =	shalt  }
0x4f: {  	_ =	shalt  }
0x50: {  	_ =	shalt  }
0x51: {  	_ =	shalt  }
0x52: {  	_ =	shalt  }
0x53: {  	_ =	shalt  }
0x54: {  	_ =	shalt  }
0x55: {  	_ =	shalt  }
0x56: {  	_ =	shalt  }
0x57: {  	_ =	shalt  }
0x58: {  	_ =	shalt  }
0x59: {  	_ =	shalt  }
0x5a: {  	_ =	shalt  }
0x5b: {  	_ =	shalt  }
0x5c: {  	_ =	shalt  }
0x5d: {  	_ =	shalt  }
0x5e: {  	_ =	shalt  }
0x5f: {  	_ =	shalt  }
0x60: {  	_ =	shalt  }
0x61: {  	_ =	shalt  }
0x62: {  	_ =	shalt  }
0x63: {  	_ =	shalt  }
0x64: {  	_ =	shalt  }
0x65: {  	_ =	shalt  }
0x66: {  	_ =	shalt  }
0x67: {  	_ =	shalt  }
0x68: {  	_ =	shalt  }
0x69: {  	_ =	shalt  }
0x6a: {  	_ =	shalt  }
0x6b: {  	_ =	shalt  }
0x6c: {  	_ =	shalt  }
0x6d: {  	_ =	shalt  }
0x6e: {  	_ =	shalt  }
0x6f: {  	_ =	shalt  }
0x70: {  	_ =	shalt  }
0x71: {  	_ =	shalt  }
0x72: {  	_ =	shalt  }
0x73: {  	_ =	shalt  }
0x74: {  	_ =	shalt  }
0x75: {  	_ =	shalt  }
0x76: {  	_ =	shalt  }
0x77: {  	_ =	shalt  }
0x78: {  	_ =	shalt  }
0x79: {  	_ =	shalt  }
0x7a: {  	_ =	shalt  }
0x7b: {  	_ =	shalt  }
0x7c: {  	_ =	shalt  }
0x7d: {  	_ =	shalt  }
0x7e: {  	_ =	shalt  }
0x7f: {  	_ =	shalt  }
0x80: {  	_ =	shalt  }
0x81: {  	_ =	shalt  }
0x82: {  	_ =	shalt  }
0x83: {  	_ =	shalt  }
0x84: {  	_ =	shalt  }
0x85: {  	_ =	shalt  }
0x86: {  	_ =	shalt  }
0x87: {  	_ =	shalt  }
.Lfunc_end0:
.L_simem_size_0:
called_computation_lowered:
.L_overlay_start_0:
0x88: {  	s2 =	sld [smem:$0x3FD9]  }
0x89: {  	s3 =	sld [smem:$0x3FFE];
	_ =	sdelay $0x1  }
0x8a: {  	s1 =	srdreg.scid  }
0x8b: {  	s0 =	sand.u32 $0x1, s1  }
0x8c: {  	s16 =	sshll.u32 s0, $0xA;
	s2 =	sadd.s32 s3, s2  }
0x8d: {  	s2 =	sadd.s32 s2, s16  }
0x8e: {  	[smem:$0x3FC6] =	sst s2  }
0x8f: {  	_ = 	snop  }
0x90: {  	(tm) =	ssettm $0x1  }
0x91: {  	s17 =	sld [smem:$0x3FFB];
	_ =	sdelay $0x3  }
0x92: {  	_ =	strace s17  }
0x93: {  	s2 =	sld [smem:$0x3FFC];
	_ =	sdelay $0x3  }
0x94: {  	_ =	strace s2  }
0x95: {  	s2 =	sld [smem:$0x3FFD];
	_ =	sdelay $0x3  }
0x96: {  	_ =	strace s2  }
0x97: {  	_ =	strace $0x8FFFFFFF  }
0x98: {  	s18 =	sld [smem:$0x3FDB];
	_ =	sdelay $0x1  }
0x99: {  	s19 =	simm.s32 $_scs_section_size  }
0x9a: {  	s4 =	simm.s32 $_size__tile_overlayer_lowered;
	s5 =	simm.s32 $_tile_overlayer_lowered  }
0x9b: {  	s22 =	simm.s32 $0x1BFF;
	s21 =	sshll.u32 s5, $0x1;
	s2 =	sadd.s32 s19, s18  }
0x9c: {  	s6 =	simm.s32 $0x0;
	s20 =	sshll.u32 s4, $0x1;
	s4 =	sadd.s32 s21, s2  }
0x9d: {  	[timem:s6], [sflag:s22] =	dma.local [hbm:s4], s20  }
0x9e: {  	_ =	swait.ge [sflag:s22], s20  }
0x9f: {  	s3 =	ssub.s32 $0x0, s20;
	[sflag:s22] =	ssyncset.done $0x0  }
0xa0: {  	[sflag:s22] =	ssyncadd.s32 s3;
	_ =	sdelay $0x1  }
0xa1: {  	s23 =	simm.s32 $0x1B8B  }
0xa2: {  	_ =	swait.ge [sflag:s23], $0x1  }
0xa3: {  	[sflag:s23] =	ssyncset.done $0x0  }
0xa4: {  	s25 =	simm.s32 $0x1B8E;
	s24 =	sld [smem:$0x3FFE];
	[sflag:s23] =	ssyncadd.s32 $0xFFFFFFFF  }
0xa5: {  	s26 =	simm.s32 $execute0_lowered;
	[smem:$0x3FD2] =	sst s25  }
0xa6: {  	s4 =	sshll.u32 s26, $0x1;
	_ =	strace $0x80000046;
	[dreg:$0x1] =	wrdreg $0xFFFFFFFF  }
0xa7: {  	s28 =	simm.s32 $_size_execute0_lowered;
	s2 =	sadd.s32 s2, s4;
	[dreg:$0x0] =	wrdreg $0x0  }
0xa8: {  	s4 =	sshll.u32 s28, $0x1;
	[dreg:$0x2] =	wrdreg s2  }
0xa9: {  	[dreg:$0x3] =	wrdreg s4  }
0xaa: {  	[dreg:$0x4] =	wrdreg $0xC0  }
0xab: {  	_ =	task [dreg:s6], $0x5FFFF  }
0xac: {  	[dreg:$0x1] =	wrdreg $0xFFFFFFFF  }
0xad: {  	[dreg:$0x0] =	wrdreg $0x60  }
0xae: {  	[dreg:$0x2] =	wrdreg s24  }
0xaf: {  	[dreg:$0x3] =	wrdreg $0x9  }
0xb0: {  	_ =	task.clear_ibuf [dreg:s6], $0x4FFFF;
	_ =	strace $0x90000046  }
0xb1: {  	s29 =	simm.s32 $0x9;
	_ =	strace $0x80000048  }
0xb2: {  	_ =	swait.ge [sflag:s29], $0x1  }
0xb3: {  	[sflag:s29] =	ssyncadd.s32 $0xFFFFFFFF  }
0xb4: {  	_ =	strace $0x90000048  }
0xb5: {  	_ =	sfence  }
0xb6: {  	s30 =	sld [smem:$0x0];
	_ =	sdelay $0x2  }
0xb7: {  	s31 =	sshll.u32 s1, $0xD;
	s1 =	sshrl.u32 s1, $0x2  }
0xb8: {  	s3 =	sand.u32 $0x4000, s31;
	s1 =	sadd.s32 s1, s30  }
0xb9: {  	s0 =	sor.u32 s3, s0;
	s1 =	sshll.u32 s1, $0x11  }
0xba: {  	s0 =	sor.u32 s1, s0  }
0xbb: {  	s0 =	sadd.s32 $0x8F2B, s0  }
0xbc: {  	[sflag:s0] =	ssyncadd.remote.s32 $0x1  }
0xbd: {  	_ =	sfence.sel $0xFFFF  }
0xbe: {  	[dreg:$0x0] =	wrdreg $0xFFFFFFFF;
	(pc) =	sbr.abs _section_cstart, $3  }
0xbf: {  	[dreg:$0x1] =	wrdreg $0xFFFFFFFF  }
0xc0: {  	_ =	task.clear_ibuf [dreg:s6], $0x2FFFF;
	_ =	strace $0x9FFFFFFF  }
0xc1: {  	(tm) =	ssettm $0x7FFFFFFF  }
tec
execute0_lowered:
.L_overlay_start_1:
0x0: {  	(tag) =	ssettag $0x1  }
0x1: {  	s1 =	srdreg.scid  }
0x2: {  	s0 =	stileid.u32;
	s4 =	rddreg [dreg:$0x0]  }
0x3: {  	s2 =	simm.s32 $0x0;
	s11 =	simm.s32 $0x10100;
	s12 =	simm.s32 $0x11500  }
0x4: {  	s13 =	simm.s32 $0x0;
	s3 =	sand.u32 $0x1, s1;
	s1 =	rddreg [dreg:$0x1]  }
0x5: {  	s29 =	sshll.u32 s0, $0x1;
	s6 =	sshrl.u32 s0, $0x2;
	[smem:$0x7FF] =	sst s2  }
0x6: {  	s5 =	sor.u32 s3, s29;
	s8 =	sshll.u32 s6, $0xB;
	s6 =	smul.u32 $0xA000, s6  }
0x7: {  	_ =	strace $0x80000047;
	s3 =	ssub.s32 $0x2, s3;
	s7 =	sshll.u32 s5, $0x7  }
0x8: {  	s9 =	sshll.u32 s5, $0xD;
	s5 =	sshll.u32 s5, $0x4;
	s31 =	sshrl.u32 s3, $0x1  }
0x9: {  	s7 =	sand.u32 $0x380, s7;
	s9 =	sadd.s32 s9, s4;
	s30 =	sadd.s32 s5, s4  }
0xa: {  	s10 =	ssub.s32 s3, s31;
	s8 =	sor.u32 s8, s7;
	s6 =	sor.u32 s6, s7  }
0xb: {  	s7 =	smax.u32 s10, $0x1;
	s8 =	sshrl.u32 s8, $0x3;
	s6 =	sshrl.u32 s6, $0x3  }
0xc: {  	s8 =	sadd.s32 s8, s4;
	s6 =	sadd.s32 s6, s4;
	s4 =	sadd.s32 $0x6FA200, s9  }
0xd: {  	s10 =	simm.s32 $0x1;
	s9 =	simm.s32 $0x400;
	s3 =	sadd.s32 $0x6F9E00, s8  }
0xe: {  	s5 =	sadd.s32 $0x73A200, s6;
	s6 =	sadd.s32 $0x73F200, s30;
	s8 =	simm.s32 $0x80  }
.LBB2_1:
0xf: {  	[tilespmem:s2], [sflag:$0x1] =	stream.strided.gather [hbm4b:s3+s8], $0x100, s9, s8, $0x38;
	[tilespmem:$0x11580] =	vst v63  }
0x10: {  	_ =	swait.ge [sflag:s10], $0x100  }
0x11: {  	s14 =	simm.s32 $0x100;
	s15 =	simm.s32 $0x80;
	[sflag:s10] =	ssyncset.done $0x0  }
0x12: {  	s17 =	sadd.s32 $0x0, s4;
	s16 =	simm.s32 $0x500;
	[sflag:s10] =	ssyncadd.s32 $0xFFFFFF00  }
.LBB2_2:
0x13: {  	[hbm4b:s17+s2] =	stream.linear.scatter [tilespmem:s14], [sflag:$0x1], $0x80, $0x38;
	[tilespmem:$0x11580] =	vst v63  }
0x14: {  	s17 =	smov.u32 s15;
	s14 =	smov.u32 s16;
	p0 =	sne.s32 s15, $0x1F80  }
.Ltmp0:
0x15: {  	s15 =	sadd.s32 $0x80, s15;
	(pc) =	sbr.rel @p0 .LBB2_2-.Ltmp0, $2  }
0x16: {  	_ =	sdelay $0x2  }
0x17: {  	s16 =	sadd.s32 $0x400, s16;
	s17 =	sadd.s32 s17, s4  }
0x18: {  	[hbm4b:s17+s2] =	stream.linear.scatter [tilespmem:s14], [sflag:$0x1], $0x80, $0x38;
	[tilespmem:$0x11580] =	vst v63  }
0x19: {  	_ =	swait.ge [sflag:s10], $0x2000  }
0x1a: {  	[sflag:s10] =	ssyncset.done $0x0  }
0x1b: {  	[sflag:s10] =	ssyncadd.s32 $0xFFFFE000  }
0x1c: {  	[hbm4b:s5+s8] =	stream.strided.scatter [tilespmem:s11], [sflag:$0x1], $0x1400, s9, s8, $0x38;
	[tilespmem:$0x11580] =	vst v63  }
0x1d: {  	s13 =	sadd.s32 $0x1, s13;
	_ =	swait.ge [sflag:s10], $0x1400  }
0x1e: {  	p0 =	sne.s32 s13, s7;
	[sflag:s10] =	ssyncset.done $0x0  }
.Ltmp1:
0x1f: {  	[sflag:s10] =	ssyncadd.s32 $0xFFFFEC00;
	(pc) =	sbr.rel @p0 .LBB2_1-.Ltmp1, $4  }
0x20: {  	[hbm4b:s6+s2] =	stream.linear.scatter [tilespmem:s12], [sflag:$0x1], $0x80, $0x38;
	[tilespmem:$0x11580] =	vst v63  }
0x21: {  	_ =	swait.ge [sflag:s10], $0x80  }
0x22: {  	[sflag:s10] =	ssyncset.done $0x0  }
0x23: {  	[sflag:s10] =	ssyncadd.s32 $0xFFFFFF80  }
0x24: {  	_ =	sfence.sel $0x180000  }
0x25: {  	[bflag:$0x0] =	sbarrier.arrive $0xFFFF  }
0x26: {  	p0 =	sne.s32 s0, $0x0;
	_ =	strace $0x90000047  }
0x27: {  	s0 =	sadd.s32 @!p0 $0x100000, s1;
	[bflag:$0x2] =	sbarrier.arrive $0xFFFF  }
0x28: {  	[sflag:s0] =	ssyncadd.tile.s32 @!p0 $0x1;
	_ =	shalt  }
.Lfunc_end2:
_tile_overlayer_lowered:
.L_overlay_start_2:
0x29: {  	(tag) =	ssettag $0x2  }
0x2a: {  	s0 =	rddreg [dreg:$0x0];
	s2 =	stileid.u32  }
0x2b: {  	s1 =	rddreg [dreg:$0x1];
	p0 =	sne.s32 s2, $0x0  }
0x2c: {  	s3 =	rddreg [dreg:$0x2];
	[bflag:$0x3] =	sbarrier.arrive $0xFFFF;
	s2 =	simm.s32 @!p0 $0x1C01  }
0x2d: {  	[timem:s3], [sflag:s2] =	dma.local @!p0 [hbm:s0], s1  }
0x2e: {  	s0 =	simm.s32 @!p0 $0x1  }
0x2f: {  	_ =	swait.ge @!p0 [sflag:s0], s1  }
0x30: {  	s1 =	ssub.s32 @!p0 $0x0, s1;
	[sflag:s0] =	ssyncset.done @!p0 $0x0  }
0x31: {  	[sflag:s0] =	ssyncadd.s32 @!p0 s1  }
0x32: {  	[bflag:$0x3] =	sbarrier.arrive $0xFFFF  }
0x33: {  	_ =	shalt  }

</sc_bundles>
